<compile_context>
chip_gen: v7x
topology: tpu7x:2x2x1
jax: 0.10.2.dev20260603
libtpu: 0.0.44.dev20260713+nightly
codegen_flags: <defaults>
</compile_context>

<pallas_src>
import functools

import jax
import jax.numpy as jnp
from jax import lax
from jax.experimental import pallas as pl
from jax.experimental.pallas import tpu as pltpu
from jax.experimental.pallas import tpu_sc as plsc

BATCH = 16384
HIDDEN = 64
B_CONST = 3.2

_info = plsc.get_sparse_core_info()
_NC, _NS = _info.num_cores, _info.num_subcores
NW = _NC * _NS
ROWS_W = BATCH // NW
CHUNK = 128
NCH = ROWS_W // CHUNK


def _body(rows_hbm, P_hbm, Q_hbm, bu_hbm, bi_hbm, out_hbm,
          rows_v, u_v, i_v, pu_v, qi_v, bu_v, bi_v, sred_v, out_v, sem):
    wid = lax.axis_index("s") * _NC + lax.axis_index("c")
    base = wid * ROWS_W

    pltpu.sync_copy(rows_hbm.at[wid], rows_v)
    lanes16 = lax.iota(jnp.int32, 16)
    for g in range(ROWS_W // 16):
        tri = (lanes16 + g * 16) * 3
        u16 = plsc.load_gather(rows_v, [tri])
        i16 = plsc.load_gather(rows_v, [tri + 1])
        u_v[g // 8, pl.ds((g % 8) * 16, 16)] = u16
        i_v[g // 8, pl.ds((g % 8) * 16, 16)] = i16

    copies = []
    for j in range(NCH):
        sl = pl.ds(j * CHUNK, CHUNK)
        copies.append(pltpu.async_copy(P_hbm.at[u_v.at[j]], pu_v.at[sl], sem))
        copies.append(pltpu.async_copy(Q_hbm.at[i_v.at[j]], qi_v.at[sl], sem))
        copies.append(pltpu.async_copy(bu_hbm.at[u_v.at[j]], bu_v.at[sl], sem))
        copies.append(pltpu.async_copy(bi_hbm.at[i_v.at[j]], bi_v.at[sl], sem))
    for c in copies:
        c.wait()

    lanes = lanes16 * ROWS_W

    def prow(rr, carry):
        for k in range(4):
            r = rr * 4 + k
            s = None
            for c in range(4):
                sl = pl.ds(c * 16, 16)
                pq = pu_v[r, sl] * qi_v[r, sl]
                s = pq if s is None else s + pq
            plsc.store_scatter(sred_v, [lanes + r], s)
        return carry

    lax.fori_loop(0, ROWS_W // 4, prow, 0)

    def group(g, carry):
        off = pl.multiple_of(g * 16, 16)
        acc0 = bu_v[pl.ds(off, 16)] + bi_v[pl.ds(off, 16)] + B_CONST
        acc1 = jnp.zeros((16,), jnp.float32)
        acc2 = jnp.zeros((16,), jnp.float32)
        acc3 = jnp.zeros((16,), jnp.float32)
        accs = [acc0, acc1, acc2, acc3]
        for l in range(16):
            accs[l % 4] = accs[l % 4] + sred_v[pl.ds(off + l * ROWS_W, 16)]
        out_v[pl.ds(off, 16)] = (accs[0] + accs[1]) + (accs[2] + accs[3])
        return carry

    lax.fori_loop(0, ROWS_W // 16, group, 0)

    pltpu.sync_copy(out_v, out_hbm.at[pl.ds(base, ROWS_W)])


@jax.jit
def _autorec(rows2, P, Q, b_u, b_i):
    mesh = plsc.VectorSubcoreMesh(core_axis_name="c", subcore_axis_name="s")
    kern = functools.partial(
        pl.kernel,
        mesh=mesh,
        out_type=jax.ShapeDtypeStruct((BATCH,), jnp.float32),
        scratch_types=[
            pltpu.VMEM((ROWS_W * 3,), jnp.int32),
            pltpu.VMEM((NCH, CHUNK), jnp.int32),
            pltpu.VMEM((NCH, CHUNK), jnp.int32),
            pltpu.VMEM((ROWS_W, HIDDEN), jnp.float32),
            pltpu.VMEM((ROWS_W, HIDDEN), jnp.float32),
            pltpu.VMEM((ROWS_W,), jnp.float32),
            pltpu.VMEM((ROWS_W,), jnp.float32),
            pltpu.VMEM((16 * ROWS_W,), jnp.float32),
            pltpu.VMEM((ROWS_W,), jnp.float32),
            pltpu.SemaphoreType.DMA,
        ],
        compiler_params=pltpu.CompilerParams(
            needs_layout_passes=False, use_tc_tiling_on_sc=False),
    )(_body)
    return kern(rows2, P, Q, b_u, b_i)


def kernel(rows, P, Q, b_u, b_i):
    rows2 = rows.reshape(NW, ROWS_W * 3)
    return _autorec(rows2, P, Q, b_u, b_i)

# --- scband reference (transcript-rebuilt; emitter-appended) ---
"""Pipeline reference for scband-auto-rec-31696858645081 (READ-ONLY COPY).

The authoritative reference and input builder live on the scoring server;
editing this copy changes nothing except your own understanding.
"""

import jax, jax.numpy as jnp
import numpy as np

NUM_USERS = 1000000
NUM_ITEMS = 1000000
HIDDEN = 64
BATCH = 16384
B_CONST = 3.2

def setup_inputs(seed: int = 0) -> dict:
    key = jax.random.key(seed)
    k_rows, k_P, k_Q, k_bu, k_bi = jax.random.split(key, 5)
    rows = jax.random.randint(k_rows, (BATCH, 3), 0, NUM_USERS, dtype=jnp.int64) if jax.config.jax_enable_x64 else jax.random.randint(k_rows, (BATCH, 3), 0, NUM_USERS).astype(jnp.int32)
    P = jax.random.normal(k_P, (NUM_USERS, HIDDEN), dtype=jnp.float32)
    Q = jax.random.normal(k_Q, (NUM_ITEMS, HIDDEN), dtype=jnp.float32)
    b_u = jax.random.normal(k_bu, (NUM_USERS,), dtype=jnp.float32)
    b_i = jax.random.normal(k_bi, (NUM_ITEMS,), dtype=jnp.float32)
    return {"rows": rows, "P": P, "Q": Q, "b_u": b_u, "b_i": b_i}

def reference(rows, P, Q, b_u, b_i):
    u = rows[:, 0]
    i = rows[:, 1]
    pu = jnp.take(P, u, axis=0)
    qi = jnp.take(Q, i, axis=0)
    out = jnp.sum(pu * qi, axis=1) + jnp.take(b_u, u) + jnp.take(b_i, i) + B_CONST
    return out

if __name__ == "__main__":
    import jax
    _d = setup_inputs()
    print(jax.jit(kernel)(*tuple(_d.values())))

</pallas_src>

<mosaic_0001>
#map = affine_map<(d0, d1) -> (0, 0)>
#map1 = affine_map<(d0, d1) -> (0)>
module attributes {stable_mosaic.version = 14 : i64} {
  func.func @_body(%arg0: i32, %arg1: i32, %arg2: memref<32x1536xi32, #tpu.memory_space<hbm>>, %arg3: memref<1000000x64xf32, #tpu.memory_space<hbm>>, %arg4: memref<1000000x64xf32, #tpu.memory_space<hbm>>, %arg5: memref<1000000xf32, #tpu.memory_space<hbm>>, %arg6: memref<1000000xf32, #tpu.memory_space<hbm>>, %arg7: memref<16384xf32, #tpu.memory_space<hbm>>, %arg8: memref<1536xi32, #tpu.memory_space<vmem>>, %arg9: memref<4x128xi32, #tpu.memory_space<vmem>>, %arg10: memref<4x128xi32, #tpu.memory_space<vmem>>, %arg11: memref<512x64xf32, #tpu.memory_space<vmem>>, %arg12: memref<512x64xf32, #tpu.memory_space<vmem>>, %arg13: memref<512xf32, #tpu.memory_space<vmem>>, %arg14: memref<512xf32, #tpu.memory_space<vmem>>, %arg15: memref<8192xf32, #tpu.memory_space<vmem>>, %arg16: memref<512xf32, #tpu.memory_space<vmem>>, %arg17: memref<!tpu.dma_semaphore, #tpu.memory_space<semaphore_mem>>) attributes {dimension_semantics = [#tpu.dimension_semantics<core_parallel>, #tpu.dimension_semantics<subcore_parallel>], iteration_bounds = array<i64: 2, 16>, scalar_prefetch = 0 : i64, scratch_operands = 10 : i64, tpu.core_type = #tpu.core_type<sc_vector_subcore>, window_params = [{transform_indices = #map}, {transform_indices = #map}, {transform_indices = #map}, {transform_indices = #map1}, {transform_indices = #map1}, {transform_indices = #map1}]} {
    %mul3A = arith.constant 2 : i32
    %mul3A_0 = arith.muli %arg1, %mul3A : i32
    %add3A = arith.addi %mul3A_0, %arg0 : i32
    %mul3A_1 = arith.constant 512 : i32
    %mul3A_2 = arith.muli %add3A, %mul3A_1 : i32
    "tpu.region"() ({
      %run_scoped3A = tpu.sem_alloc : memref<!tpu.dma_semaphore, #tpu.memory_space<semaphore_mem>>
      %dma_start3A_909 = arith.constant 0 : i32
      %dma_start3A_910 = tpu.memref_slice %arg2[%add3A, %dma_start3A_909] : memref<32x1536xi32, #tpu.memory_space<hbm>> -> memref<1x1536xi32, #tpu.memory_space<hbm>>
      %dma_start3A_911 = tpu.memref_squeeze %dma_start3A_910 : memref<1x1536xi32, #tpu.memory_space<hbm>> -> memref<1536xi32, #tpu.memory_space<hbm>>
      %dma_start3A_912 = arith.constant 0 : i32
      %dma_start3A_913 = tpu.memref_slice %arg2[%add3A, %dma_start3A_912] : memref<32x1536xi32, #tpu.memory_space<hbm>> -> memref<1x1536xi32, #tpu.memory_space<hbm>>
      %dma_start3A_914 = tpu.memref_squeeze %dma_start3A_913 : memref<1x1536xi32, #tpu.memory_space<hbm>> -> memref<1536xi32, #tpu.memory_space<hbm>>
      tpu.enqueue_dma source(%dma_start3A_914 : memref<1536xi32, #tpu.memory_space<hbm>>) target(%arg8 : memref<1536xi32, #tpu.memory_space<vmem>>) target_semaphore(%run_scoped3A : memref<!tpu.dma_semaphore, #tpu.memory_space<semaphore_mem>>)
      %dma_wait3A_915 = arith.constant 0 : i32
      %dma_wait3A_916 = tpu.memref_slice %arg2[%add3A, %dma_wait3A_915] : memref<32x1536xi32, #tpu.memory_space<hbm>> -> memref<1x1536xi32, #tpu.memory_space<hbm>>
      %dma_wait3A_917 = tpu.memref_squeeze %dma_wait3A_916 : memref<1x1536xi32, #tpu.memory_space<hbm>> -> memref<1536xi32, #tpu.memory_space<hbm>>
      %dma_wait3A_918 = arith.constant 0 : i32
      %dma_wait3A_919 = tpu.memref_slice %arg2[%add3A, %dma_wait3A_918] : memref<32x1536xi32, #tpu.memory_space<hbm>> -> memref<1x1536xi32, #tpu.memory_space<hbm>>
      %dma_wait3A_920 = tpu.memref_squeeze %dma_wait3A_919 : memref<1x1536xi32, #tpu.memory_space<hbm>> -> memref<1536xi32, #tpu.memory_space<hbm>>
      tpu.wait_dma2 semaphore(%run_scoped3A : memref<!tpu.dma_semaphore, #tpu.memory_space<semaphore_mem>>) src(%dma_wait3A_920 : memref<1536xi32, #tpu.memory_space<hbm>>) dst(%arg8 : memref<1536xi32, #tpu.memory_space<vmem>>)
      tpu.yield
    }) : () -> ()
    %iota3A = tpu.iota {dimensions = array<i32: 0>} : vector<16xi32>
    %add3A_3 = arith.constant 0 : i32
    %add3A_4 = vector.broadcast %add3A_3 : i32 to vector<16xi32>
    %add3A_5 = arith.addi %iota3A, %add3A_4 : vector<16xi32>
    %mul3A_6 = arith.constant 3 : i32
    %mul3A_7 = vector.broadcast %mul3A_6 : i32 to vector<16xi32>
    %mul3A_8 = arith.muli %add3A_5, %mul3A_7 : vector<16xi32>
    %gather3A = tpu.vector_load_idx %arg8[%mul3A_8] : memref<1536xi32, #tpu.memory_space<vmem>>[vector<16xi32>], vector<16xi32>,
    %add3A_9 = arith.constant 1 : i32
    %add3A_10 = vector.broadcast %add3A_9 : i32 to vector<16xi32>
    %add3A_11 = arith.addi %mul3A_8, %add3A_10 : vector<16xi32>
    %gather3A_12 = tpu.vector_load_idx %arg8[%add3A_11] : memref<1536xi32, #tpu.memory_space<vmem>>[vector<16xi32>], vector<16xi32>,
    %swap3A = arith.constant 0 : i32
    %swap3A_13 = arith.index_cast %swap3A : i32 to index
    %swap3A_14 = arith.constant 0 : index
    %swap3A_15 = tpu.vector_load %arg9[%swap3A_13, %swap3A_14] {strides = array<i32>} : memref<4x128xi32, #tpu.memory_space<vmem>>, vector<16xi32>,
    tpu.vector_store %arg9[%swap3A_13, %swap3A_14], %gather3A {strides = array<i32>} : memref<4x128xi32, #tpu.memory_space<vmem>>, vector<16xi32>,
    %swap3A_16 = arith.constant 0 : i32
    %swap3A_17 = arith.index_cast %swap3A_16 : i32 to index
    %swap3A_18 = arith.constant 0 : index
    %swap3A_19 = tpu.vector_load %arg10[%swap3A_17, %swap3A_18] {strides = array<i32>} : memref<4x128xi32, #tpu.memory_space<vmem>>, vector<16xi32>,
    tpu.vector_store %arg10[%swap3A_17, %swap3A_18], %gather3A_12 {strides = array<i32>} : memref<4x128xi32, #tpu.memory_space<vmem>>, vector<16xi32>,
    %add3A_20 = arith.constant 16 : i32
    %add3A_21 = vector.broadcast %add3A_20 : i32 to vector<16xi32>
    %add3A_22 = arith.addi %iota3A, %add3A_21 : vector<16xi32>
    %mul3A_23 = arith.constant 3 : i32
    %mul3A_24 = vector.broadcast %mul3A_23 : i32 to vector<16xi32>
    %mul3A_25 = arith.muli %add3A_22, %mul3A_24 : vector<16xi32>
    %gather3A_26 = tpu.vector_load_idx %arg8[%mul3A_25] : memref<1536xi32, #tpu.memory_space<vmem>>[vector<16xi32>], vector<16xi32>,
    %add3A_27 = arith.constant 1 : i32
    %add3A_28 = vector.broadcast %add3A_27 : i32 to vector<16xi32>
    %add3A_29 = arith.addi %mul3A_25, %add3A_28 : vector<16xi32>
    %gather3A_30 = tpu.vector_load_idx %arg8[%add3A_29] : memref<1536xi32, #tpu.memory_space<vmem>>[vector<16xi32>], vector<16xi32>,
    %swap3A_31 = arith.constant 0 : i32
    %swap3A_32 = arith.index_cast %swap3A_31 : i32 to index
    %swap3A_33 = arith.constant 16 : index
    %swap3A_34 = tpu.vector_load %arg9[%swap3A_32, %swap3A_33] {strides = array<i32>} : memref<4x128xi32, #tpu.memory_space<vmem>>, vector<16xi32>,
    tpu.vector_store %arg9[%swap3A_32, %swap3A_33], %gather3A_26 {strides = array<i32>} : memref<4x128xi32, #tpu.memory_space<vmem>>, vector<16xi32>,
    %swap3A_35 = arith.constant 0 : i32
    %swap3A_36 = arith.index_cast %swap3A_35 : i32 to index
    %swap3A_37 = arith.constant 16 : index
    %swap3A_38 = tpu.vector_load %arg10[%swap3A_36, %swap3A_37] {strides = array<i32>} : memref<4x128xi32, #tpu.memory_space<vmem>>, vector<16xi32>,
    tpu.vector_store %arg10[%swap3A_36, %swap3A_37], %gather3A_30 {strides = array<i32>} : memref<4x128xi32, #tpu.memory_space<vmem>>, vector<16xi32>,
    %add3A_39 = arith.constant 32 : i32
    %add3A_40 = vector.broadcast %add3A_39 : i32 to vector<16xi32>
    %add3A_41 = arith.addi %iota3A, %add3A_40 : vector<16xi32>
    %mul3A_42 = arith.constant 3 : i32
    %mul3A_43 = vector.broadcast %mul3A_42 : i32 to vector<16xi32>
    %mul3A_44 = arith.muli %add3A_41, %mul3A_43 : vector<16xi32>
    %gather3A_45 = tpu.vector_load_idx %arg8[%mul3A_44] : memref<1536xi32, #tpu.memory_space<vmem>>[vector<16xi32>], vector<16xi32>,
    %add3A_46 = arith.constant 1 : i32
    %add3A_47 = vector.broadcast %add3A_46 : i32 to vector<16xi32>
    %add3A_48 = arith.addi %mul3A_44, %add3A_47 : vector<16xi32>
    %gather3A_49 = tpu.vector_load_idx %arg8[%add3A_48] : memref<1536xi32, #tpu.memory_space<vmem>>[vector<16xi32>], vector<16xi32>,
    %swap3A_50 = arith.constant 0 : i32
    %swap3A_51 = arith.index_cast %swap3A_50 : i32 to index
    %swap3A_52 = arith.constant 32 : index
    %swap3A_53 = tpu.vector_load %arg9[%swap3A_51, %swap3A_52] {strides = array<i32>} : memref<4x128xi32, #tpu.memory_space<vmem>>, vector<16xi32>,
    tpu.vector_store %arg9[%swap3A_51, %swap3A_52], %gather3A_45 {strides = array<i32>} : memref<4x128xi32, #tpu.memory_space<vmem>>, vector<16xi32>,
    %swap3A_54 = arith.constant 0 : i32
    %swap3A_55 = arith.index_cast %swap3A_54 : i32 to index
    %swap3A_56 = arith.constant 32 : index
    %swap3A_57 = tpu.vector_load %arg10[%swap3A_55, %swap3A_56] {strides = array<i32>} : memref<4x128xi32, #tpu.memory_space<vmem>>, vector<16xi32>,
    tpu.vector_store %arg10[%swap3A_55, %swap3A_56], %gather3A_49 {strides = array<i32>} : memref<4x128xi32, #tpu.memory_space<vmem>>, vector<16xi32>,
    %add3A_58 = arith.constant 48 : i32
    %add3A_59 = vector.broadcast %add3A_58 : i32 to vector<16xi32>
    %add3A_60 = arith.addi %iota3A, %add3A_59 : vector<16xi32>
    %mul3A_61 = arith.constant 3 : i32
    %mul3A_62 = vector.broadcast %mul3A_61 : i32 to vector<16xi32>
    %mul3A_63 = arith.muli %add3A_60, %mul3A_62 : vector<16xi32>
    %gather3A_64 = tpu.vector_load_idx %arg8[%mul3A_63] : memref<1536xi32, #tpu.memory_space<vmem>>[vector<16xi32>], vector<16xi32>,
    %add3A_65 = arith.constant 1 : i32
    %add3A_66 = vector.broadcast %add3A_65 : i32 to vector<16xi32>
    %add3A_67 = arith.addi %mul3A_63, %add3A_66 : vector<16xi32>
    %gather3A_68 = tpu.vector_load_idx %arg8[%add3A_67] : memref<1536xi32, #tpu.memory_space<vmem>>[vector<16xi32>], vector<16xi32>,
    %swap3A_69 = arith.constant 0 : i32
    %swap3A_70 = arith.index_cast %swap3A_69 : i32 to index
    %swap3A_71 = arith.constant 48 : index
    %swap3A_72 = tpu.vector_load %arg9[%swap3A_70, %swap3A_71] {strides = array<i32>} : memref<4x128xi32, #tpu.memory_space<vmem>>, vector<16xi32>,
    tpu.vector_store %arg9[%swap3A_70, %swap3A_71], %gather3A_64 {strides = array<i32>} : memref<4x128xi32, #tpu.memory_space<vmem>>, vector<16xi32>,
    %swap3A_73 = arith.constant 0 : i32
    %swap3A_74 = arith.index_cast %swap3A_73 : i32 to index
    %swap3A_75 = arith.constant 48 : index
    %swap3A_76 = tpu.vector_load %arg10[%swap3A_74, %swap3A_75] {strides = array<i32>} : memref<4x128xi32, #tpu.memory_space<vmem>>, vector<16xi32>,
    tpu.vector_store %arg10[%swap3A_74, %swap3A_75], %gather3A_68 {strides = array<i32>} : memref<4x128xi32, #tpu.memory_space<vmem>>, vector<16xi32>,
    %add3A_77 = arith.constant 64 : i32
    %add3A_78 = vector.broadcast %add3A_77 : i32 to vector<16xi32>
    %add3A_79 = arith.addi %iota3A, %add3A_78 : vector<16xi32>
    %mul3A_80 = arith.constant 3 : i32
    %mul3A_81 = vector.broadcast %mul3A_80 : i32 to vector<16xi32>
    %mul3A_82 = arith.muli %add3A_79, %mul3A_81 : vector<16xi32>
    %gather3A_83 = tpu.vector_load_idx %arg8[%mul3A_82] : memref<1536xi32, #tpu.memory_space<vmem>>[vector<16xi32>], vector<16xi32>,
    %add3A_84 = arith.constant 1 : i32
    %add3A_85 = vector.broadcast %add3A_84 : i32 to vector<16xi32>
    %add3A_86 = arith.addi %mul3A_82, %add3A_85 : vector<16xi32>
    %gather3A_87 = tpu.vector_load_idx %arg8[%add3A_86] : memref<1536xi32, #tpu.memory_space<vmem>>[vector<16xi32>], vector<16xi32>,
    %swap3A_88 = arith.constant 0 : i32
    %swap3A_89 = arith.index_cast %swap3A_88 : i32 to index
    %swap3A_90 = arith.constant 64 : index
    %swap3A_91 = tpu.vector_load %arg9[%swap3A_89, %swap3A_90] {strides = array<i32>} : memref<4x128xi32, #tpu.memory_space<vmem>>, vector<16xi32>,
    tpu.vector_store %arg9[%swap3A_89, %swap3A_90], %gather3A_83 {strides = array<i32>} : memref<4x128xi32, #tpu.memory_space<vmem>>, vector<16xi32>,
    %swap3A_92 = arith.constant 0 : i32
    %swap3A_93 = arith.index_cast %swap3A_92 : i32 to index
    %swap3A_94 = arith.constant 64 : index
    %swap3A_95 = tpu.vector_load %arg10[%swap3A_93, %swap3A_94] {strides = array<i32>} : memref<4x128xi32, #tpu.memory_space<vmem>>, vector<16xi32>,
    tpu.vector_store %arg10[%swap3A_93, %swap3A_94], %gather3A_87 {strides = array<i32>} : memref<4x128xi32, #tpu.memory_space<vmem>>, vector<16xi32>,
    %add3A_96 = arith.constant 80 : i32
    %add3A_97 = vector.broadcast %add3A_96 : i32 to vector<16xi32>
    %add3A_98 = arith.addi %iota3A, %add3A_97 : vector<16xi32>
    %mul3A_99 = arith.constant 3 : i32
    %mul3A_100 = vector.broadcast %mul3A_99 : i32 to vector<16xi32>
    %mul3A_101 = arith.muli %add3A_98, %mul3A_100 : vector<16xi32>
    %gather3A_102 = tpu.vector_load_idx %arg8[%mul3A_101] : memref<1536xi32, #tpu.memory_space<vmem>>[vector<16xi32>], vector<16xi32>,
    %add3A_103 = arith.constant 1 : i32
    %add3A_104 = vector.broadcast %add3A_103 : i32 to vector<16xi32>
    %add3A_105 = arith.addi %mul3A_101, %add3A_104 : vector<16xi32>
    %gather3A_106 = tpu.vector_load_idx %arg8[%add3A_105] : memref<1536xi32, #tpu.memory_space<vmem>>[vector<16xi32>], vector<16xi32>,
    %swap3A_107 = arith.constant 0 : i32
    %swap3A_108 = arith.index_cast %swap3A_107 : i32 to index
    %swap3A_109 = arith.constant 80 : index
    %swap3A_110 = tpu.vector_load %arg9[%swap3A_108, %swap3A_109] {strides = array<i32>} : memref<4x128xi32, #tpu.memory_space<vmem>>, vector<16xi32>,
    tpu.vector_store %arg9[%swap3A_108, %swap3A_109], %gather3A_102 {strides = array<i32>} : memref<4x128xi32, #tpu.memory_space<vmem>>, vector<16xi32>,
    %swap3A_111 = arith.constant 0 : i32
    %swap3A_112 = arith.index_cast %swap3A_111 : i32 to index
    %swap3A_113 = arith.constant 80 : index
    %swap3A_114 = tpu.vector_load %arg10[%swap3A_112, %swap3A_113] {strides = array<i32>} : memref<4x128xi32, #tpu.memory_space<vmem>>, vector<16xi32>,
    tpu.vector_store %arg10[%swap3A_112, %swap3A_113], %gather3A_106 {strides = array<i32>} : memref<4x128xi32, #tpu.memory_space<vmem>>, vector<16xi32>,
    %add3A_115 = arith.constant 96 : i32
    %add3A_116 = vector.broadcast %add3A_115 : i32 to vector<16xi32>
    %add3A_117 = arith.addi %iota3A, %add3A_116 : vector<16xi32>
    %mul3A_118 = arith.constant 3 : i32
    %mul3A_119 = vector.broadcast %mul3A_118 : i32 to vector<16xi32>
    %mul3A_120 = arith.muli %add3A_117, %mul3A_119 : vector<16xi32>
    %gather3A_121 = tpu.vector_load_idx %arg8[%mul3A_120] : memref<1536xi32, #tpu.memory_space<vmem>>[vector<16xi32>], vector<16xi32>,
    %add3A_122 = arith.constant 1 : i32
    %add3A_123 = vector.broadcast %add3A_122 : i32 to vector<16xi32>
    %add3A_124 = arith.addi %mul3A_120, %add3A_123 : vector<16xi32>
    %gather3A_125 = tpu.vector_load_idx %arg8[%add3A_124] : memref<1536xi32, #tpu.memory_space<vmem>>[vector<16xi32>], vector<16xi32>,
    %swap3A_126 = arith.constant 0 : i32
    %swap3A_127 = arith.index_cast %swap3A_126 : i32 to index
    %swap3A_128 = arith.constant 96 : index
    %swap3A_129 = tpu.vector_load %arg9[%swap3A_127, %swap3A_128] {strides = array<i32>} : memref<4x128xi32, #tpu.memory_space<vmem>>, vector<16xi32>,
    tpu.vector_store %arg9[%swap3A_127, %swap3A_128], %gather3A_121 {strides = array<i32>} : memref<4x128xi32, #tpu.memory_space<vmem>>, vector<16xi32>,
    %swap3A_130 = arith.constant 0 : i32
    %swap3A_131 = arith.index_cast %swap3A_130 : i32 to index
    %swap3A_132 = arith.constant 96 : index
    %swap3A_133 = tpu.vector_load %arg10[%swap3A_131, %swap3A_132] {strides = array<i32>} : memref<4x128xi32, #tpu.memory_space<vmem>>, vector<16xi32>,
    tpu.vector_store %arg10[%swap3A_131, %swap3A_132], %gather3A_125 {strides = array<i32>} : memref<4x128xi32, #tpu.memory_space<vmem>>, vector<16xi32>,
    %add3A_134 = arith.constant 112 : i32
    %add3A_135 = vector.broadcast %add3A_134 : i32 to vector<16xi32>
    %add3A_136 = arith.addi %iota3A, %add3A_135 : vector<16xi32>
    %mul3A_137 = arith.constant 3 : i32
    %mul3A_138 = vector.broadcast %mul3A_137 : i32 to vector<16xi32>
    %mul3A_139 = arith.muli %add3A_136, %mul3A_138 : vector<16xi32>
    %gather3A_140 = tpu.vector_load_idx %arg8[%mul3A_139] : memref<1536xi32, #tpu.memory_space<vmem>>[vector<16xi32>], vector<16xi32>,
    %add3A_141 = arith.constant 1 : i32
    %add3A_142 = vector.broadcast %add3A_141 : i32 to vector<16xi32>
    %add3A_143 = arith.addi %mul3A_139, %add3A_142 : vector<16xi32>
    %gather3A_144 = tpu.vector_load_idx %arg8[%add3A_143] : memref<1536xi32, #tpu.memory_space<vmem>>[vector<16xi32>], vector<16xi32>,
    %swap3A_145 = arith.constant 0 : i32
    %swap3A_146 = arith.index_cast %swap3A_145 : i32 to index
    %swap3A_147 = arith.constant 112 : index
    %swap3A_148 = tpu.vector_load %arg9[%swap3A_146, %swap3A_147] {strides = array<i32>} : memref<4x128xi32, #tpu.memory_space<vmem>>, vector<16xi32>,
    tpu.vector_store %arg9[%swap3A_146, %swap3A_147], %gather3A_140 {strides = array<i32>} : memref<4x128xi32, #tpu.memory_space<vmem>>, vector<16xi32>,
    %swap3A_149 = arith.constant 0 : i32
    %swap3A_150 = arith.index_cast %swap3A_149 : i32 to index
    %swap3A_151 = arith.constant 112 : index
    %swap3A_152 = tpu.vector_load %arg10[%swap3A_150, %swap3A_151] {strides = array<i32>} : memref<4x128xi32, #tpu.memory_space<vmem>>, vector<16xi32>,
    tpu.vector_store %arg10[%swap3A_150, %swap3A_151], %gather3A_144 {strides = array<i32>} : memref<4x128xi32, #tpu.memory_space<vmem>>, vector<16xi32>,
    %add3A_153 = arith.constant 128 : i32
    %add3A_154 = vector.broadcast %add3A_153 : i32 to vector<16xi32>
    %add3A_155 = arith.addi %iota3A, %add3A_154 : vector<16xi32>
    %mul3A_156 = arith.constant 3 : i32
    %mul3A_157 = vector.broadcast %mul3A_156 : i32 to vector<16xi32>
    %mul3A_158 = arith.muli %add3A_155, %mul3A_157 : vector<16xi32>
    %gather3A_159 = tpu.vector_load_idx %arg8[%mul3A_158] : memref<1536xi32, #tpu.memory_space<vmem>>[vector<16xi32>], vector<16xi32>,
    %add3A_160 = arith.constant 1 : i32
    %add3A_161 = vector.broadcast %add3A_160 : i32 to vector<16xi32>
    %add3A_162 = arith.addi %mul3A_158, %add3A_161 : vector<16xi32>
    %gather3A_163 = tpu.vector_load_idx %arg8[%add3A_162] : memref<1536xi32, #tpu.memory_space<vmem>>[vector<16xi32>], vector<16xi32>,
    %swap3A_164 = arith.constant 1 : i32
    %swap3A_165 = arith.index_cast %swap3A_164 : i32 to index
    %swap3A_166 = arith.constant 0 : index
    %swap3A_167 = tpu.vector_load %arg9[%swap3A_165, %swap3A_166] {strides = array<i32>} : memref<4x128xi32, #tpu.memory_space<vmem>>, vector<16xi32>,
    tpu.vector_store %arg9[%swap3A_165, %swap3A_166], %gather3A_159 {strides = array<i32>} : memref<4x128xi32, #tpu.memory_space<vmem>>, vector<16xi32>,
    %swap3A_168 = arith.constant 1 : i32
    %swap3A_169 = arith.index_cast %swap3A_168 : i32 to index
    %swap3A_170 = arith.constant 0 : index
    %swap3A_171 = tpu.vector_load %arg10[%swap3A_169, %swap3A_170] {strides = array<i32>} : memref<4x128xi32, #tpu.memory_space<vmem>>, vector<16xi32>,
    tpu.vector_store %arg10[%swap3A_169, %swap3A_170], %gather3A_163 {strides = array<i32>} : memref<4x128xi32, #tpu.memory_space<vmem>>, vector<16xi32>,
    %add3A_172 = arith.constant 144 : i32
    %add3A_173 = vector.broadcast %add3A_172 : i32 to vector<16xi32>
    %add3A_174 = arith.addi %iota3A, %add3A_173 : vector<16xi32>
    %mul3A_175 = arith.constant 3 : i32
    %mul3A_176 = vector.broadcast %mul3A_175 : i32 to vector<16xi32>
    %mul3A_177 = arith.muli %add3A_174, %mul3A_176 : vector<16xi32>
    %gather3A_178 = tpu.vector_load_idx %arg8[%mul3A_177] : memref<1536xi32, #tpu.memory_space<vmem>>[vector<16xi32>], vector<16xi32>,
    %add3A_179 = arith.constant 1 : i32
    %add3A_180 = vector.broadcast %add3A_179 : i32 to vector<16xi32>
    %add3A_181 = arith.addi %mul3A_177, %add3A_180 : vector<16xi32>
    %gather3A_182 = tpu.vector_load_idx %arg8[%add3A_181] : memref<1536xi32, #tpu.memory_space<vmem>>[vector<16xi32>], vector<16xi32>,
    %swap3A_183 = arith.constant 1 : i32
    %swap3A_184 = arith.index_cast %swap3A_183 : i32 to index
    %swap3A_185 = arith.constant 16 : index
    %swap3A_186 = tpu.vector_load %arg9[%swap3A_184, %swap3A_185] {strides = array<i32>} : memref<4x128xi32, #tpu.memory_space<vmem>>, vector<16xi32>,
    tpu.vector_store %arg9[%swap3A_184, %swap3A_185], %gather3A_178 {strides = array<i32>} : memref<4x128xi32, #tpu.memory_space<vmem>>, vector<16xi32>,
    %swap3A_187 = arith.constant 1 : i32
    %swap3A_188 = arith.index_cast %swap3A_187 : i32 to index
    %swap3A_189 = arith.constant 16 : index
    %swap3A_190 = tpu.vector_load %arg10[%swap3A_188, %swap3A_189] {strides = array<i32>} : memref<4x128xi32, #tpu.memory_space<vmem>>, vector<16xi32>,
    tpu.vector_store %arg10[%swap3A_188, %swap3A_189], %gather3A_182 {strides = array<i32>} : memref<4x128xi32, #tpu.memory_space<vmem>>, vector<16xi32>,
    %add3A_191 = arith.constant 160 : i32
    %add3A_192 = vector.broadcast %add3A_191 : i32 to vector<16xi32>
    %add3A_193 = arith.addi %iota3A, %add3A_192 : vector<16xi32>
    %mul3A_194 = arith.constant 3 : i32
    %mul3A_195 = vector.broadcast %mul3A_194 : i32 to vector<16xi32>
    %mul3A_196 = arith.muli %add3A_193, %mul3A_195 : vector<16xi32>
    %gather3A_197 = tpu.vector_load_idx %arg8[%mul3A_196] : memref<1536xi32, #tpu.memory_space<vmem>>[vector<16xi32>], vector<16xi32>,
    %add3A_198 = arith.constant 1 : i32
    %add3A_199 = vector.broadcast %add3A_198 : i32 to vector<16xi32>
    %add3A_200 = arith.addi %mul3A_196, %add3A_199 : vector<16xi32>
    %gather3A_201 = tpu.vector_load_idx %arg8[%add3A_200] : memref<1536xi32, #tpu.memory_space<vmem>>[vector<16xi32>], vector<16xi32>,
    %swap3A_202 = arith.constant 1 : i32
    %swap3A_203 = arith.index_cast %swap3A_202 : i32 to index
    %swap3A_204 = arith.constant 32 : index
    %swap3A_205 = tpu.vector_load %arg9[%swap3A_203, %swap3A_204] {strides = array<i32>} : memref<4x128xi32, #tpu.memory_space<vmem>>, vector<16xi32>,
    tpu.vector_store %arg9[%swap3A_203, %swap3A_204], %gather3A_197 {strides = array<i32>} : memref<4x128xi32, #tpu.memory_space<vmem>>, vector<16xi32>,
    %swap3A_206 = arith.constant 1 : i32
    %swap3A_207 = arith.index_cast %swap3A_206 : i32 to index
    %swap3A_208 = arith.constant 32 : index
    %swap3A_209 = tpu.vector_load %arg10[%swap3A_207, %swap3A_208] {strides = array<i32>} : memref<4x128xi32, #tpu.memory_space<vmem>>, vector<16xi32>,
    tpu.vector_store %arg10[%swap3A_207, %swap3A_208], %gather3A_201 {strides = array<i32>} : memref<4x128xi32, #tpu.memory_space<vmem>>, vector<16xi32>,
    %add3A_210 = arith.constant 176 : i32
    %add3A_211 = vector.broadcast %add3A_210 : i32 to vector<16xi32>
    %add3A_212 = arith.addi %iota3A, %add3A_211 : vector<16xi32>
    %mul3A_213 = arith.constant 3 : i32
    %mul3A_214 = vector.broadcast %mul3A_213 : i32 to vector<16xi32>
    %mul3A_215 = arith.muli %add3A_212, %mul3A_214 : vector<16xi32>
    %gather3A_216 = tpu.vector_load_idx %arg8[%mul3A_215] : memref<1536xi32, #tpu.memory_space<vmem>>[vector<16xi32>], vector<16xi32>,
    %add3A_217 = arith.constant 1 : i32
    %add3A_218 = vector.broadcast %add3A_217 : i32 to vector<16xi32>
    %add3A_219 = arith.addi %mul3A_215, %add3A_218 : vector<16xi32>
    %gather3A_220 = tpu.vector_load_idx %arg8[%add3A_219] : memref<1536xi32, #tpu.memory_space<vmem>>[vector<16xi32>], vector<16xi32>,
    %swap3A_221 = arith.constant 1 : i32
    %swap3A_222 = arith.index_cast %swap3A_221 : i32 to index
    %swap3A_223 = arith.constant 48 : index
    %swap3A_224 = tpu.vector_load %arg9[%swap3A_222, %swap3A_223] {strides = array<i32>} : memref<4x128xi32, #tpu.memory_space<vmem>>, vector<16xi32>,
    tpu.vector_store %arg9[%swap3A_222, %swap3A_223], %gather3A_216 {strides = array<i32>} : memref<4x128xi32, #tpu.memory_space<vmem>>, vector<16xi32>,
    %swap3A_225 = arith.constant 1 : i32
    %swap3A_226 = arith.index_cast %swap3A_225 : i32 to index
    %swap3A_227 = arith.constant 48 : index
    %swap3A_228 = tpu.vector_load %arg10[%swap3A_226, %swap3A_227] {strides = array<i32>} : memref<4x128xi32, #tpu.memory_space<vmem>>, vector<16xi32>,
    tpu.vector_store %arg10[%swap3A_226, %swap3A_227], %gather3A_220 {strides = array<i32>} : memref<4x128xi32, #tpu.memory_space<vmem>>, vector<16xi32>,
    %add3A_229 = arith.constant 192 : i32
    %add3A_230 = vector.broadcast %add3A_229 : i32 to vector<16xi32>
    %add3A_231 = arith.addi %iota3A, %add3A_230 : vector<16xi32>
    %mul3A_232 = arith.constant 3 : i32
    %mul3A_233 = vector.broadcast %mul3A_232 : i32 to vector<16xi32>
    %mul3A_234 = arith.muli %add3A_231, %mul3A_233 : vector<16xi32>
    %gather3A_235 = tpu.vector_load_idx %arg8[%mul3A_234] : memref<1536xi32, #tpu.memory_space<vmem>>[vector<16xi32>], vector<16xi32>,
    %add3A_236 = arith.constant 1 : i32
    %add3A_237 = vector.broadcast %add3A_236 : i32 to vector<16xi32>
    %add3A_238 = arith.addi %mul3A_234, %add3A_237 : vector<16xi32>
    %gather3A_239 = tpu.vector_load_idx %arg8[%add3A_238] : memref<1536xi32, #tpu.memory_space<vmem>>[vector<16xi32>], vector<16xi32>,
    %swap3A_240 = arith.constant 1 : i32
    %swap3A_241 = arith.index_cast %swap3A_240 : i32 to index
    %swap3A_242 = arith.constant 64 : index
    %swap3A_243 = tpu.vector_load %arg9[%swap3A_241, %swap3A_242] {strides = array<i32>} : memref<4x128xi32, #tpu.memory_space<vmem>>, vector<16xi32>,
    tpu.vector_store %arg9[%swap3A_241, %swap3A_242], %gather3A_235 {strides = array<i32>} : memref<4x128xi32, #tpu.memory_space<vmem>>, vector<16xi32>,
    %swap3A_244 = arith.constant 1 : i32
    %swap3A_245 = arith.index_cast %swap3A_244 : i32 to index
    %swap3A_246 = arith.constant 64 : index
    %swap3A_247 = tpu.vector_load %arg10[%swap3A_245, %swap3A_246] {strides = array<i32>} : memref<4x128xi32, #tpu.memory_space<vmem>>, vector<16xi32>,
    tpu.vector_store %arg10[%swap3A_245, %swap3A_246], %gather3A_239 {strides = array<i32>} : memref<4x128xi32, #tpu.memory_space<vmem>>, vector<16xi32>,
    %add3A_248 = arith.constant 208 : i32
    %add3A_249 = vector.broadcast %add3A_248 : i32 to vector<16xi32>
    %add3A_250 = arith.addi %iota3A, %add3A_249 : vector<16xi32>
    %mul3A_251 = arith.constant 3 : i32
    %mul3A_252 = vector.broadcast %mul3A_251 : i32 to vector<16xi32>
    %mul3A_253 = arith.muli %add3A_250, %mul3A_252 : vector<16xi32>
    %gather3A_254 = tpu.vector_load_idx %arg8[%mul3A_253] : memref<1536xi32, #tpu.memory_space<vmem>>[vector<16xi32>], vector<16xi32>,
    %add3A_255 = arith.constant 1 : i32
    %add3A_256 = vector.broadcast %add3A_255 : i32 to vector<16xi32>
    %add3A_257 = arith.addi %mul3A_253, %add3A_256 : vector<16xi32>
    %gather3A_258 = tpu.vector_load_idx %arg8[%add3A_257] : memref<1536xi32, #tpu.memory_space<vmem>>[vector<16xi32>], vector<16xi32>,
    %swap3A_259 = arith.constant 1 : i32
    %swap3A_260 = arith.index_cast %swap3A_259 : i32 to index
    %swap3A_261 = arith.constant 80 : index
    %swap3A_262 = tpu.vector_load %arg9[%swap3A_260, %swap3A_261] {strides = array<i32>} : memref<4x128xi32, #tpu.memory_space<vmem>>, vector<16xi32>,
    tpu.vector_store %arg9[%swap3A_260, %swap3A_261], %gather3A_254 {strides = array<i32>} : memref<4x128xi32, #tpu.memory_space<vmem>>, vector<16xi32>,
    %swap3A_263 = arith.constant 1 : i32
    %swap3A_264 = arith.index_cast %swap3A_263 : i32 to index
    %swap3A_265 = arith.constant 80 : index
    %swap3A_266 = tpu.vector_load %arg10[%swap3A_264, %swap3A_265] {strides = array<i32>} : memref<4x128xi32, #tpu.memory_space<vmem>>, vector<16xi32>,
    tpu.vector_store %arg10[%swap3A_264, %swap3A_265], %gather3A_258 {strides = array<i32>} : memref<4x128xi32, #tpu.memory_space<vmem>>, vector<16xi32>,
    %add3A_267 = arith.constant 224 : i32
    %add3A_268 = vector.broadcast %add3A_267 : i32 to vector<16xi32>
    %add3A_269 = arith.addi %iota3A, %add3A_268 : vector<16xi32>
    %mul3A_270 = arith.constant 3 : i32
    %mul3A_271 = vector.broadcast %mul3A_270 : i32 to vector<16xi32>
    %mul3A_272 = arith.muli %add3A_269, %mul3A_271 : vector<16xi32>
    %gather3A_273 = tpu.vector_load_idx %arg8[%mul3A_272] : memref<1536xi32, #tpu.memory_space<vmem>>[vector<16xi32>], vector<16xi32>,
    %add3A_274 = arith.constant 1 : i32
    %add3A_275 = vector.broadcast %add3A_274 : i32 to vector<16xi32>
    %add3A_276 = arith.addi %mul3A_272, %add3A_275 : vector<16xi32>
    %gather3A_277 = tpu.vector_load_idx %arg8[%add3A_276] : memref<1536xi32, #tpu.memory_space<vmem>>[vector<16xi32>], vector<16xi32>,
    %swap3A_278 = arith.constant 1 : i32
    %swap3A_279 = arith.index_cast %swap3A_278 : i32 to index
    %swap3A_280 = arith.constant 96 : index
    %swap3A_281 = tpu.vector_load %arg9[%swap3A_279, %swap3A_280] {strides = array<i32>} : memref<4x128xi32, #tpu.memory_space<vmem>>, vector<16xi32>,
    tpu.vector_store %arg9[%swap3A_279, %swap3A_280], %gather3A_273 {strides = array<i32>} : memref<4x128xi32, #tpu.memory_space<vmem>>, vector<16xi32>,
    %swap3A_282 = arith.constant 1 : i32
    %swap3A_283 = arith.index_cast %swap3A_282 : i32 to index
    %swap3A_284 = arith.constant 96 : index
    %swap3A_285 = tpu.vector_load %arg10[%swap3A_283, %swap3A_284] {strides = array<i32>} : memref<4x128xi32, #tpu.memory_space<vmem>>, vector<16xi32>,
    tpu.vector_store %arg10[%swap3A_283, %swap3A_284], %gather3A_277 {strides = array<i32>} : memref<4x128xi32, #tpu.memory_space<vmem>>, vector<16xi32>,
    %add3A_286 = arith.constant 240 : i32
    %add3A_287 = vector.broadcast %add3A_286 : i32 to vector<16xi32>
    %add3A_288 = arith.addi %iota3A, %add3A_287 : vector<16xi32>
    %mul3A_289 = arith.constant 3 : i32
    %mul3A_290 = vector.broadcast %mul3A_289 : i32 to vector<16xi32>
    %mul3A_291 = arith.muli %add3A_288, %mul3A_290 : vector<16xi32>
    %gather3A_292 = tpu.vector_load_idx %arg8[%mul3A_291] : memref<1536xi32, #tpu.memory_space<vmem>>[vector<16xi32>], vector<16xi32>,
    %add3A_293 = arith.constant 1 : i32
    %add3A_294 = vector.broadcast %add3A_293 : i32 to vector<16xi32>
    %add3A_295 = arith.addi %mul3A_291, %add3A_294 : vector<16xi32>
    %gather3A_296 = tpu.vector_load_idx %arg8[%add3A_295] : memref<1536xi32, #tpu.memory_space<vmem>>[vector<16xi32>], vector<16xi32>,
    %swap3A_297 = arith.constant 1 : i32
    %swap3A_298 = arith.index_cast %swap3A_297 : i32 to index
    %swap3A_299 = arith.constant 112 : index
    %swap3A_300 = tpu.vector_load %arg9[%swap3A_298, %swap3A_299] {strides = array<i32>} : memref<4x128xi32, #tpu.memory_space<vmem>>, vector<16xi32>,
    tpu.vector_store %arg9[%swap3A_298, %swap3A_299], %gather3A_292 {strides = array<i32>} : memref<4x128xi32, #tpu.memory_space<vmem>>, vector<16xi32>,
    %swap3A_301 = arith.constant 1 : i32
    %swap3A_302 = arith.index_cast %swap3A_301 : i32 to index
    %swap3A_303 = arith.constant 112 : index
    %swap3A_304 = tpu.vector_load %arg10[%swap3A_302, %swap3A_303] {strides = array<i32>} : memref<4x128xi32, #tpu.memory_space<vmem>>, vector<16xi32>,
    tpu.vector_store %arg10[%swap3A_302, %swap3A_303], %gather3A_296 {strides = array<i32>} : memref<4x128xi32, #tpu.memory_space<vmem>>, vector<16xi32>,
    %add3A_305 = arith.constant 256 : i32
    %add3A_306 = vector.broadcast %add3A_305 : i32 to vector<16xi32>
    %add3A_307 = arith.addi %iota3A, %add3A_306 : vector<16xi32>
    %mul3A_308 = arith.constant 3 : i32
    %mul3A_309 = vector.broadcast %mul3A_308 : i32 to vector<16xi32>
    %mul3A_310 = arith.muli %add3A_307, %mul3A_309 : vector<16xi32>
    %gather3A_311 = tpu.vector_load_idx %arg8[%mul3A_310] : memref<1536xi32, #tpu.memory_space<vmem>>[vector<16xi32>], vector<16xi32>,
    %add3A_312 = arith.constant 1 : i32
    %add3A_313 = vector.broadcast %add3A_312 : i32 to vector<16xi32>
    %add3A_314 = arith.addi %mul3A_310, %add3A_313 : vector<16xi32>
    %gather3A_315 = tpu.vector_load_idx %arg8[%add3A_314] : memref<1536xi32, #tpu.memory_space<vmem>>[vector<16xi32>], vector<16xi32>,
    %swap3A_316 = arith.constant 2 : i32
    %swap3A_317 = arith.index_cast %swap3A_316 : i32 to index
    %swap3A_318 = arith.constant 0 : index
    %swap3A_319 = tpu.vector_load %arg9[%swap3A_317, %swap3A_318] {strides = array<i32>} : memref<4x128xi32, #tpu.memory_space<vmem>>, vector<16xi32>,
    tpu.vector_store %arg9[%swap3A_317, %swap3A_318], %gather3A_311 {strides = array<i32>} : memref<4x128xi32, #tpu.memory_space<vmem>>, vector<16xi32>,
    %swap3A_320 = arith.constant 2 : i32
    %swap3A_321 = arith.index_cast %swap3A_320 : i32 to index
    %swap3A_322 = arith.constant 0 : index
    %swap3A_323 = tpu.vector_load %arg10[%swap3A_321, %swap3A_322] {strides = array<i32>} : memref<4x128xi32, #tpu.memory_space<vmem>>, vector<16xi32>,
    tpu.vector_store %arg10[%swap3A_321, %swap3A_322], %gather3A_315 {strides = array<i32>} : memref<4x128xi32, #tpu.memory_space<vmem>>, vector<16xi32>,
    %add3A_324 = arith.constant 272 : i32
    %add3A_325 = vector.broadcast %add3A_324 : i32 to vector<16xi32>
    %add3A_326 = arith.addi %iota3A, %add3A_325 : vector<16xi32>
    %mul3A_327 = arith.constant 3 : i32
    %mul3A_328 = vector.broadcast %mul3A_327 : i32 to vector<16xi32>
    %mul3A_329 = arith.muli %add3A_326, %mul3A_328 : vector<16xi32>
    %gather3A_330 = tpu.vector_load_idx %arg8[%mul3A_329] : memref<1536xi32, #tpu.memory_space<vmem>>[vector<16xi32>], vector<16xi32>,
    %add3A_331 = arith.constant 1 : i32
    %add3A_332 = vector.broadcast %add3A_331 : i32 to vector<16xi32>
    %add3A_333 = arith.addi %mul3A_329, %add3A_332 : vector<16xi32>
    %gather3A_334 = tpu.vector_load_idx %arg8[%add3A_333] : memref<1536xi32, #tpu.memory_space<vmem>>[vector<16xi32>], vector<16xi32>,
    %swap3A_335 = arith.constant 2 : i32
    %swap3A_336 = arith.index_cast %swap3A_335 : i32 to index
    %swap3A_337 = arith.constant 16 : index
    %swap3A_338 = tpu.vector_load %arg9[%swap3A_336, %swap3A_337] {strides = array<i32>} : memref<4x128xi32, #tpu.memory_space<vmem>>, vector<16xi32>,
    tpu.vector_store %arg9[%swap3A_336, %swap3A_337], %gather3A_330 {strides = array<i32>} : memref<4x128xi32, #tpu.memory_space<vmem>>, vector<16xi32>,
    %swap3A_339 = arith.constant 2 : i32
    %swap3A_340 = arith.index_cast %swap3A_339 : i32 to index
    %swap3A_341 = arith.constant 16 : index
    %swap3A_342 = tpu.vector_load %arg10[%swap3A_340, %swap3A_341] {strides = array<i32>} : memref<4x128xi32, #tpu.memory_space<vmem>>, vector<16xi32>,
    tpu.vector_store %arg10[%swap3A_340, %swap3A_341], %gather3A_334 {strides = array<i32>} : memref<4x128xi32, #tpu.memory_space<vmem>>, vector<16xi32>,
    %add3A_343 = arith.constant 288 : i32
    %add3A_344 = vector.broadcast %add3A_343 : i32 to vector<16xi32>
    %add3A_345 = arith.addi %iota3A, %add3A_344 : vector<16xi32>
    %mul3A_346 = arith.constant 3 : i32
    %mul3A_347 = vector.broadcast %mul3A_346 : i32 to vector<16xi32>
    %mul3A_348 = arith.muli %add3A_345, %mul3A_347 : vector<16xi32>
    %gather3A_349 = tpu.vector_load_idx %arg8[%mul3A_348] : memref<1536xi32, #tpu.memory_space<vmem>>[vector<16xi32>], vector<16xi32>,
    %add3A_350 = arith.constant 1 : i32
    %add3A_351 = vector.broadcast %add3A_350 : i32 to vector<16xi32>
    %add3A_352 = arith.addi %mul3A_348, %add3A_351 : vector<16xi32>
    %gather3A_353 = tpu.vector_load_idx %arg8[%add3A_352] : memref<1536xi32, #tpu.memory_space<vmem>>[vector<16xi32>], vector<16xi32>,
    %swap3A_354 = arith.constant 2 : i32
    %swap3A_355 = arith.index_cast %swap3A_354 : i32 to index
    %swap3A_356 = arith.constant 32 : index
    %swap3A_357 = tpu.vector_load %arg9[%swap3A_355, %swap3A_356] {strides = array<i32>} : memref<4x128xi32, #tpu.memory_space<vmem>>, vector<16xi32>,
    tpu.vector_store %arg9[%swap3A_355, %swap3A_356], %gather3A_349 {strides = array<i32>} : memref<4x128xi32, #tpu.memory_space<vmem>>, vector<16xi32>,
    %swap3A_358 = arith.constant 2 : i32
    %swap3A_359 = arith.index_cast %swap3A_358 : i32 to index
    %swap3A_360 = arith.constant 32 : index
    %swap3A_361 = tpu.vector_load %arg10[%swap3A_359, %swap3A_360] {strides = array<i32>} : memref<4x128xi32, #tpu.memory_space<vmem>>, vector<16xi32>,
    tpu.vector_store %arg10[%swap3A_359, %swap3A_360], %gather3A_353 {strides = array<i32>} : memref<4x128xi32, #tpu.memory_space<vmem>>, vector<16xi32>,
    %add3A_362 = arith.constant 304 : i32
    %add3A_363 = vector.broadcast %add3A_362 : i32 to vector<16xi32>
    %add3A_364 = arith.addi %iota3A, %add3A_363 : vector<16xi32>
    %mul3A_365 = arith.constant 3 : i32
    %mul3A_366 = vector.broadcast %mul3A_365 : i32 to vector<16xi32>
    %mul3A_367 = arith.muli %add3A_364, %mul3A_366 : vector<16xi32>
    %gather3A_368 = tpu.vector_load_idx %arg8[%mul3A_367] : memref<1536xi32, #tpu.memory_space<vmem>>[vector<16xi32>], vector<16xi32>,
    %add3A_369 = arith.constant 1 : i32
    %add3A_370 = vector.broadcast %add3A_369 : i32 to vector<16xi32>
    %add3A_371 = arith.addi %mul3A_367, %add3A_370 : vector<16xi32>
    %gather3A_372 = tpu.vector_load_idx %arg8[%add3A_371] : memref<1536xi32, #tpu.memory_space<vmem>>[vector<16xi32>], vector<16xi32>,
    %swap3A_373 = arith.constant 2 : i32
    %swap3A_374 = arith.index_cast %swap3A_373 : i32 to index
    %swap3A_375 = arith.constant 48 : index
    %swap3A_376 = tpu.vector_load %arg9[%swap3A_374, %swap3A_375] {strides = array<i32>} : memref<4x128xi32, #tpu.memory_space<vmem>>, vector<16xi32>,
    tpu.vector_store %arg9[%swap3A_374, %swap3A_375], %gather3A_368 {strides = array<i32>} : memref<4x128xi32, #tpu.memory_space<vmem>>, vector<16xi32>,
    %swap3A_377 = arith.constant 2 : i32
    %swap3A_378 = arith.index_cast %swap3A_377 : i32 to index
    %swap3A_379 = arith.constant 48 : index
    %swap3A_380 = tpu.vector_load %arg10[%swap3A_378, %swap3A_379] {strides = array<i32>} : memref<4x128xi32, #tpu.memory_space<vmem>>, vector<16xi32>,
    tpu.vector_store %arg10[%swap3A_378, %swap3A_379], %gather3A_372 {strides = array<i32>} : memref<4x128xi32, #tpu.memory_space<vmem>>, vector<16xi32>,
    %add3A_381 = arith.constant 320 : i32
    %add3A_382 = vector.broadcast %add3A_381 : i32 to vector<16xi32>
    %add3A_383 = arith.addi %iota3A, %add3A_382 : vector<16xi32>
    %mul3A_384 = arith.constant 3 : i32
    %mul3A_385 = vector.broadcast %mul3A_384 : i32 to vector<16xi32>
    %mul3A_386 = arith.muli %add3A_383, %mul3A_385 : vector<16xi32>
    %gather3A_387 = tpu.vector_load_idx %arg8[%mul3A_386] : memref<1536xi32, #tpu.memory_space<vmem>>[vector<16xi32>], vector<16xi32>,
    %add3A_388 = arith.constant 1 : i32
    %add3A_389 = vector.broadcast %add3A_388 : i32 to vector<16xi32>
    %add3A_390 = arith.addi %mul3A_386, %add3A_389 : vector<16xi32>
    %gather3A_391 = tpu.vector_load_idx %arg8[%add3A_390] : memref<1536xi32, #tpu.memory_space<vmem>>[vector<16xi32>], vector<16xi32>,
    %swap3A_392 = arith.constant 2 : i32
    %swap3A_393 = arith.index_cast %swap3A_392 : i32 to index
    %swap3A_394 = arith.constant 64 : index
    %swap3A_395 = tpu.vector_load %arg9[%swap3A_393, %swap3A_394] {strides = array<i32>} : memref<4x128xi32, #tpu.memory_space<vmem>>, vector<16xi32>,
    tpu.vector_store %arg9[%swap3A_393, %swap3A_394], %gather3A_387 {strides = array<i32>} : memref<4x128xi32, #tpu.memory_space<vmem>>, vector<16xi32>,
    %swap3A_396 = arith.constant 2 : i32
    %swap3A_397 = arith.index_cast %swap3A_396 : i32 to index
    %swap3A_398 = arith.constant 64 : index
    %swap3A_399 = tpu.vector_load %arg10[%swap3A_397, %swap3A_398] {strides = array<i32>} : memref<4x128xi32, #tpu.memory_space<vmem>>, vector<16xi32>,
    tpu.vector_store %arg10[%swap3A_397, %swap3A_398], %gather3A_391 {strides = array<i32>} : memref<4x128xi32, #tpu.memory_space<vmem>>, vector<16xi32>,
    %add3A_400 = arith.constant 336 : i32
    %add3A_401 = vector.broadcast %add3A_400 : i32 to vector<16xi32>
    %add3A_402 = arith.addi %iota3A, %add3A_401 : vector<16xi32>
    %mul3A_403 = arith.constant 3 : i32
    %mul3A_404 = vector.broadcast %mul3A_403 : i32 to vector<16xi32>
    %mul3A_405 = arith.muli %add3A_402, %mul3A_404 : vector<16xi32>
    %gather3A_406 = tpu.vector_load_idx %arg8[%mul3A_405] : memref<1536xi32, #tpu.memory_space<vmem>>[vector<16xi32>], vector<16xi32>,
    %add3A_407 = arith.constant 1 : i32
    %add3A_408 = vector.broadcast %add3A_407 : i32 to vector<16xi32>
    %add3A_409 = arith.addi %mul3A_405, %add3A_408 : vector<16xi32>
    %gather3A_410 = tpu.vector_load_idx %arg8[%add3A_409] : memref<1536xi32, #tpu.memory_space<vmem>>[vector<16xi32>], vector<16xi32>,
    %swap3A_411 = arith.constant 2 : i32
    %swap3A_412 = arith.index_cast %swap3A_411 : i32 to index
    %swap3A_413 = arith.constant 80 : index
    %swap3A_414 = tpu.vector_load %arg9[%swap3A_412, %swap3A_413] {strides = array<i32>} : memref<4x128xi32, #tpu.memory_space<vmem>>, vector<16xi32>,
    tpu.vector_store %arg9[%swap3A_412, %swap3A_413], %gather3A_406 {strides = array<i32>} : memref<4x128xi32, #tpu.memory_space<vmem>>, vector<16xi32>,
    %swap3A_415 = arith.constant 2 : i32
    %swap3A_416 = arith.index_cast %swap3A_415 : i32 to index
    %swap3A_417 = arith.constant 80 : index
    %swap3A_418 = tpu.vector_load %arg10[%swap3A_416, %swap3A_417] {strides = array<i32>} : memref<4x128xi32, #tpu.memory_space<vmem>>, vector<16xi32>,
    tpu.vector_store %arg10[%swap3A_416, %swap3A_417], %gather3A_410 {strides = array<i32>} : memref<4x128xi32, #tpu.memory_space<vmem>>, vector<16xi32>,
    %add3A_419 = arith.constant 352 : i32
    %add3A_420 = vector.broadcast %add3A_419 : i32 to vector<16xi32>
    %add3A_421 = arith.addi %iota3A, %add3A_420 : vector<16xi32>
    %mul3A_422 = arith.constant 3 : i32
    %mul3A_423 = vector.broadcast %mul3A_422 : i32 to vector<16xi32>
    %mul3A_424 = arith.muli %add3A_421, %mul3A_423 : vector<16xi32>
    %gather3A_425 = tpu.vector_load_idx %arg8[%mul3A_424] : memref<1536xi32, #tpu.memory_space<vmem>>[vector<16xi32>], vector<16xi32>,
    %add3A_426 = arith.constant 1 : i32
    %add3A_427 = vector.broadcast %add3A_426 : i32 to vector<16xi32>
    %add3A_428 = arith.addi %mul3A_424, %add3A_427 : vector<16xi32>
    %gather3A_429 = tpu.vector_load_idx %arg8[%add3A_428] : memref<1536xi32, #tpu.memory_space<vmem>>[vector<16xi32>], vector<16xi32>,
    %swap3A_430 = arith.constant 2 : i32
    %swap3A_431 = arith.index_cast %swap3A_430 : i32 to index
    %swap3A_432 = arith.constant 96 : index
    %swap3A_433 = tpu.vector_load %arg9[%swap3A_431, %swap3A_432] {strides = array<i32>} : memref<4x128xi32, #tpu.memory_space<vmem>>, vector<16xi32>,
    tpu.vector_store %arg9[%swap3A_431, %swap3A_432], %gather3A_425 {strides = array<i32>} : memref<4x128xi32, #tpu.memory_space<vmem>>, vector<16xi32>,
    %swap3A_434 = arith.constant 2 : i32
    %swap3A_435 = arith.index_cast %swap3A_434 : i32 to index
    %swap3A_436 = arith.constant 96 : index
    %swap3A_437 = tpu.vector_load %arg10[%swap3A_435, %swap3A_436] {strides = array<i32>} : memref<4x128xi32, #tpu.memory_space<vmem>>, vector<16xi32>,
    tpu.vector_store %arg10[%swap3A_435, %swap3A_436], %gather3A_429 {strides = array<i32>} : memref<4x128xi32, #tpu.memory_space<vmem>>, vector<16xi32>,
    %add3A_438 = arith.constant 368 : i32
    %add3A_439 = vector.broadcast %add3A_438 : i32 to vector<16xi32>
    %add3A_440 = arith.addi %iota3A, %add3A_439 : vector<16xi32>
    %mul3A_441 = arith.constant 3 : i32
    %mul3A_442 = vector.broadcast %mul3A_441 : i32 to vector<16xi32>
    %mul3A_443 = arith.muli %add3A_440, %mul3A_442 : vector<16xi32>
    %gather3A_444 = tpu.vector_load_idx %arg8[%mul3A_443] : memref<1536xi32, #tpu.memory_space<vmem>>[vector<16xi32>], vector<16xi32>,
    %add3A_445 = arith.constant 1 : i32
    %add3A_446 = vector.broadcast %add3A_445 : i32 to vector<16xi32>
    %add3A_447 = arith.addi %mul3A_443, %add3A_446 : vector<16xi32>
    %gather3A_448 = tpu.vector_load_idx %arg8[%add3A_447] : memref<1536xi32, #tpu.memory_space<vmem>>[vector<16xi32>], vector<16xi32>,
    %swap3A_449 = arith.constant 2 : i32
    %swap3A_450 = arith.index_cast %swap3A_449 : i32 to index
    %swap3A_451 = arith.constant 112 : index
    %swap3A_452 = tpu.vector_load %arg9[%swap3A_450, %swap3A_451] {strides = array<i32>} : memref<4x128xi32, #tpu.memory_space<vmem>>, vector<16xi32>,
    tpu.vector_store %arg9[%swap3A_450, %swap3A_451], %gather3A_444 {strides = array<i32>} : memref<4x128xi32, #tpu.memory_space<vmem>>, vector<16xi32>,
    %swap3A_453 = arith.constant 2 : i32
    %swap3A_454 = arith.index_cast %swap3A_453 : i32 to index
    %swap3A_455 = arith.constant 112 : index
    %swap3A_456 = tpu.vector_load %arg10[%swap3A_454, %swap3A_455] {strides = array<i32>} : memref<4x128xi32, #tpu.memory_space<vmem>>, vector<16xi32>,
    tpu.vector_store %arg10[%swap3A_454, %swap3A_455], %gather3A_448 {strides = array<i32>} : memref<4x128xi32, #tpu.memory_space<vmem>>, vector<16xi32>,
    %add3A_457 = arith.constant 384 : i32
    %add3A_458 = vector.broadcast %add3A_457 : i32 to vector<16xi32>
    %add3A_459 = arith.addi %iota3A, %add3A_458 : vector<16xi32>
    %mul3A_460 = arith.constant 3 : i32
    %mul3A_461 = vector.broadcast %mul3A_460 : i32 to vector<16xi32>
    %mul3A_462 = arith.muli %add3A_459, %mul3A_461 : vector<16xi32>
    %gather3A_463 = tpu.vector_load_idx %arg8[%mul3A_462] : memref<1536xi32, #tpu.memory_space<vmem>>[vector<16xi32>], vector<16xi32>,
    %add3A_464 = arith.constant 1 : i32
    %add3A_465 = vector.broadcast %add3A_464 : i32 to vector<16xi32>
    %add3A_466 = arith.addi %mul3A_462, %add3A_465 : vector<16xi32>
    %gather3A_467 = tpu.vector_load_idx %arg8[%add3A_466] : memref<1536xi32, #tpu.memory_space<vmem>>[vector<16xi32>], vector<16xi32>,
    %swap3A_468 = arith.constant 3 : i32
    %swap3A_469 = arith.index_cast %swap3A_468 : i32 to index
    %swap3A_470 = arith.constant 0 : index
    %swap3A_471 = tpu.vector_load %arg9[%swap3A_469, %swap3A_470] {strides = array<i32>} : memref<4x128xi32, #tpu.memory_space<vmem>>, vector<16xi32>,
    tpu.vector_store %arg9[%swap3A_469, %swap3A_470], %gather3A_463 {strides = array<i32>} : memref<4x128xi32, #tpu.memory_space<vmem>>, vector<16xi32>,
    %swap3A_472 = arith.constant 3 : i32
    %swap3A_473 = arith.index_cast %swap3A_472 : i32 to index
    %swap3A_474 = arith.constant 0 : index
    %swap3A_475 = tpu.vector_load %arg10[%swap3A_473, %swap3A_474] {strides = array<i32>} : memref<4x128xi32, #tpu.memory_space<vmem>>, vector<16xi32>,
    tpu.vector_store %arg10[%swap3A_473, %swap3A_474], %gather3A_467 {strides = array<i32>} : memref<4x128xi32, #tpu.memory_space<vmem>>, vector<16xi32>,
    %add3A_476 = arith.constant 400 : i32
    %add3A_477 = vector.broadcast %add3A_476 : i32 to vector<16xi32>
    %add3A_478 = arith.addi %iota3A, %add3A_477 : vector<16xi32>
    %mul3A_479 = arith.constant 3 : i32
    %mul3A_480 = vector.broadcast %mul3A_479 : i32 to vector<16xi32>
    %mul3A_481 = arith.muli %add3A_478, %mul3A_480 : vector<16xi32>
    %gather3A_482 = tpu.vector_load_idx %arg8[%mul3A_481] : memref<1536xi32, #tpu.memory_space<vmem>>[vector<16xi32>], vector<16xi32>,
    %add3A_483 = arith.constant 1 : i32
    %add3A_484 = vector.broadcast %add3A_483 : i32 to vector<16xi32>
    %add3A_485 = arith.addi %mul3A_481, %add3A_484 : vector<16xi32>
    %gather3A_486 = tpu.vector_load_idx %arg8[%add3A_485] : memref<1536xi32, #tpu.memory_space<vmem>>[vector<16xi32>], vector<16xi32>,
    %swap3A_487 = arith.constant 3 : i32
    %swap3A_488 = arith.index_cast %swap3A_487 : i32 to index
    %swap3A_489 = arith.constant 16 : index
    %swap3A_490 = tpu.vector_load %arg9[%swap3A_488, %swap3A_489] {strides = array<i32>} : memref<4x128xi32, #tpu.memory_space<vmem>>, vector<16xi32>,
    tpu.vector_store %arg9[%swap3A_488, %swap3A_489], %gather3A_482 {strides = array<i32>} : memref<4x128xi32, #tpu.memory_space<vmem>>, vector<16xi32>,
    %swap3A_491 = arith.constant 3 : i32
    %swap3A_492 = arith.index_cast %swap3A_491 : i32 to index
    %swap3A_493 = arith.constant 16 : index
    %swap3A_494 = tpu.vector_load %arg10[%swap3A_492, %swap3A_493] {strides = array<i32>} : memref<4x128xi32, #tpu.memory_space<vmem>>, vector<16xi32>,
    tpu.vector_store %arg10[%swap3A_492, %swap3A_493], %gather3A_486 {strides = array<i32>} : memref<4x128xi32, #tpu.memory_space<vmem>>, vector<16xi32>,
    %add3A_495 = arith.constant 416 : i32
    %add3A_496 = vector.broadcast %add3A_495 : i32 to vector<16xi32>
    %add3A_497 = arith.addi %iota3A, %add3A_496 : vector<16xi32>
    %mul3A_498 = arith.constant 3 : i32
    %mul3A_499 = vector.broadcast %mul3A_498 : i32 to vector<16xi32>
    %mul3A_500 = arith.muli %add3A_497, %mul3A_499 : vector<16xi32>
    %gather3A_501 = tpu.vector_load_idx %arg8[%mul3A_500] : memref<1536xi32, #tpu.memory_space<vmem>>[vector<16xi32>], vector<16xi32>,
    %add3A_502 = arith.constant 1 : i32
    %add3A_503 = vector.broadcast %add3A_502 : i32 to vector<16xi32>
    %add3A_504 = arith.addi %mul3A_500, %add3A_503 : vector<16xi32>
    %gather3A_505 = tpu.vector_load_idx %arg8[%add3A_504] : memref<1536xi32, #tpu.memory_space<vmem>>[vector<16xi32>], vector<16xi32>,
    %swap3A_506 = arith.constant 3 : i32
    %swap3A_507 = arith.index_cast %swap3A_506 : i32 to index
    %swap3A_508 = arith.constant 32 : index
    %swap3A_509 = tpu.vector_load %arg9[%swap3A_507, %swap3A_508] {strides = array<i32>} : memref<4x128xi32, #tpu.memory_space<vmem>>, vector<16xi32>,
    tpu.vector_store %arg9[%swap3A_507, %swap3A_508], %gather3A_501 {strides = array<i32>} : memref<4x128xi32, #tpu.memory_space<vmem>>, vector<16xi32>,
    %swap3A_510 = arith.constant 3 : i32
    %swap3A_511 = arith.index_cast %swap3A_510 : i32 to index
    %swap3A_512 = arith.constant 32 : index
    %swap3A_513 = tpu.vector_load %arg10[%swap3A_511, %swap3A_512] {strides = array<i32>} : memref<4x128xi32, #tpu.memory_space<vmem>>, vector<16xi32>,
    tpu.vector_store %arg10[%swap3A_511, %swap3A_512], %gather3A_505 {strides = array<i32>} : memref<4x128xi32, #tpu.memory_space<vmem>>, vector<16xi32>,
    %add3A_514 = arith.constant 432 : i32
    %add3A_515 = vector.broadcast %add3A_514 : i32 to vector<16xi32>
    %add3A_516 = arith.addi %iota3A, %add3A_515 : vector<16xi32>
    %mul3A_517 = arith.constant 3 : i32
    %mul3A_518 = vector.broadcast %mul3A_517 : i32 to vector<16xi32>
    %mul3A_519 = arith.muli %add3A_516, %mul3A_518 : vector<16xi32>
    %gather3A_520 = tpu.vector_load_idx %arg8[%mul3A_519] : memref<1536xi32, #tpu.memory_space<vmem>>[vector<16xi32>], vector<16xi32>,
    %add3A_521 = arith.constant 1 : i32
    %add3A_522 = vector.broadcast %add3A_521 : i32 to vector<16xi32>
    %add3A_523 = arith.addi %mul3A_519, %add3A_522 : vector<16xi32>
    %gather3A_524 = tpu.vector_load_idx %arg8[%add3A_523] : memref<1536xi32, #tpu.memory_space<vmem>>[vector<16xi32>], vector<16xi32>,
    %swap3A_525 = arith.constant 3 : i32
    %swap3A_526 = arith.index_cast %swap3A_525 : i32 to index
    %swap3A_527 = arith.constant 48 : index
    %swap3A_528 = tpu.vector_load %arg9[%swap3A_526, %swap3A_527] {strides = array<i32>} : memref<4x128xi32, #tpu.memory_space<vmem>>, vector<16xi32>,
    tpu.vector_store %arg9[%swap3A_526, %swap3A_527], %gather3A_520 {strides = array<i32>} : memref<4x128xi32, #tpu.memory_space<vmem>>, vector<16xi32>,
    %swap3A_529 = arith.constant 3 : i32
    %swap3A_530 = arith.index_cast %swap3A_529 : i32 to index
    %swap3A_531 = arith.constant 48 : index
    %swap3A_532 = tpu.vector_load %arg10[%swap3A_530, %swap3A_531] {strides = array<i32>} : memref<4x128xi32, #tpu.memory_space<vmem>>, vector<16xi32>,
    tpu.vector_store %arg10[%swap3A_530, %swap3A_531], %gather3A_524 {strides = array<i32>} : memref<4x128xi32, #tpu.memory_space<vmem>>, vector<16xi32>,
    %add3A_533 = arith.constant 448 : i32
    %add3A_534 = vector.broadcast %add3A_533 : i32 to vector<16xi32>
    %add3A_535 = arith.addi %iota3A, %add3A_534 : vector<16xi32>
    %mul3A_536 = arith.constant 3 : i32
    %mul3A_537 = vector.broadcast %mul3A_536 : i32 to vector<16xi32>
    %mul3A_538 = arith.muli %add3A_535, %mul3A_537 : vector<16xi32>
    %gather3A_539 = tpu.vector_load_idx %arg8[%mul3A_538] : memref<1536xi32, #tpu.memory_space<vmem>>[vector<16xi32>], vector<16xi32>,
    %add3A_540 = arith.constant 1 : i32
    %add3A_541 = vector.broadcast %add3A_540 : i32 to vector<16xi32>
    %add3A_542 = arith.addi %mul3A_538, %add3A_541 : vector<16xi32>
    %gather3A_543 = tpu.vector_load_idx %arg8[%add3A_542] : memref<1536xi32, #tpu.memory_space<vmem>>[vector<16xi32>], vector<16xi32>,
    %swap3A_544 = arith.constant 3 : i32
    %swap3A_545 = arith.index_cast %swap3A_544 : i32 to index
    %swap3A_546 = arith.constant 64 : index
    %swap3A_547 = tpu.vector_load %arg9[%swap3A_545, %swap3A_546] {strides = array<i32>} : memref<4x128xi32, #tpu.memory_space<vmem>>, vector<16xi32>,
    tpu.vector_store %arg9[%swap3A_545, %swap3A_546], %gather3A_539 {strides = array<i32>} : memref<4x128xi32, #tpu.memory_space<vmem>>, vector<16xi32>,
    %swap3A_548 = arith.constant 3 : i32
    %swap3A_549 = arith.index_cast %swap3A_548 : i32 to index
    %swap3A_550 = arith.constant 64 : index
    %swap3A_551 = tpu.vector_load %arg10[%swap3A_549, %swap3A_550] {strides = array<i32>} : memref<4x128xi32, #tpu.memory_space<vmem>>, vector<16xi32>,
    tpu.vector_store %arg10[%swap3A_549, %swap3A_550], %gather3A_543 {strides = array<i32>} : memref<4x128xi32, #tpu.memory_space<vmem>>, vector<16xi32>,
    %add3A_552 = arith.constant 464 : i32
    %add3A_553 = vector.broadcast %add3A_552 : i32 to vector<16xi32>
    %add3A_554 = arith.addi %iota3A, %add3A_553 : vector<16xi32>
    %mul3A_555 = arith.constant 3 : i32
    %mul3A_556 = vector.broadcast %mul3A_555 : i32 to vector<16xi32>
    %mul3A_557 = arith.muli %add3A_554, %mul3A_556 : vector<16xi32>
    %gather3A_558 = tpu.vector_load_idx %arg8[%mul3A_557] : memref<1536xi32, #tpu.memory_space<vmem>>[vector<16xi32>], vector<16xi32>,
    %add3A_559 = arith.constant 1 : i32
    %add3A_560 = vector.broadcast %add3A_559 : i32 to vector<16xi32>
    %add3A_561 = arith.addi %mul3A_557, %add3A_560 : vector<16xi32>
    %gather3A_562 = tpu.vector_load_idx %arg8[%add3A_561] : memref<1536xi32, #tpu.memory_space<vmem>>[vector<16xi32>], vector<16xi32>,
    %swap3A_563 = arith.constant 3 : i32
    %swap3A_564 = arith.index_cast %swap3A_563 : i32 to index
    %swap3A_565 = arith.constant 80 : index
    %swap3A_566 = tpu.vector_load %arg9[%swap3A_564, %swap3A_565] {strides = array<i32>} : memref<4x128xi32, #tpu.memory_space<vmem>>, vector<16xi32>,
    tpu.vector_store %arg9[%swap3A_564, %swap3A_565], %gather3A_558 {strides = array<i32>} : memref<4x128xi32, #tpu.memory_space<vmem>>, vector<16xi32>,
    %swap3A_567 = arith.constant 3 : i32
    %swap3A_568 = arith.index_cast %swap3A_567 : i32 to index
    %swap3A_569 = arith.constant 80 : index
    %swap3A_570 = tpu.vector_load %arg10[%swap3A_568, %swap3A_569] {strides = array<i32>} : memref<4x128xi32, #tpu.memory_space<vmem>>, vector<16xi32>,
    tpu.vector_store %arg10[%swap3A_568, %swap3A_569], %gather3A_562 {strides = array<i32>} : memref<4x128xi32, #tpu.memory_space<vmem>>, vector<16xi32>,
    %add3A_571 = arith.constant 480 : i32
    %add3A_572 = vector.broadcast %add3A_571 : i32 to vector<16xi32>
    %add3A_573 = arith.addi %iota3A, %add3A_572 : vector<16xi32>
    %mul3A_574 = arith.constant 3 : i32
    %mul3A_575 = vector.broadcast %mul3A_574 : i32 to vector<16xi32>
    %mul3A_576 = arith.muli %add3A_573, %mul3A_575 : vector<16xi32>
    %gather3A_577 = tpu.vector_load_idx %arg8[%mul3A_576] : memref<1536xi32, #tpu.memory_space<vmem>>[vector<16xi32>], vector<16xi32>,
    %add3A_578 = arith.constant 1 : i32
    %add3A_579 = vector.broadcast %add3A_578 : i32 to vector<16xi32>
    %add3A_580 = arith.addi %mul3A_576, %add3A_579 : vector<16xi32>
    %gather3A_581 = tpu.vector_load_idx %arg8[%add3A_580] : memref<1536xi32, #tpu.memory_space<vmem>>[vector<16xi32>], vector<16xi32>,
    %swap3A_582 = arith.constant 3 : i32
    %swap3A_583 = arith.index_cast %swap3A_582 : i32 to index
    %swap3A_584 = arith.constant 96 : index
    %swap3A_585 = tpu.vector_load %arg9[%swap3A_583, %swap3A_584] {strides = array<i32>} : memref<4x128xi32, #tpu.memory_space<vmem>>, vector<16xi32>,
    tpu.vector_store %arg9[%swap3A_583, %swap3A_584], %gather3A_577 {strides = array<i32>} : memref<4x128xi32, #tpu.memory_space<vmem>>, vector<16xi32>,
    %swap3A_586 = arith.constant 3 : i32
    %swap3A_587 = arith.index_cast %swap3A_586 : i32 to index
    %swap3A_588 = arith.constant 96 : index
    %swap3A_589 = tpu.vector_load %arg10[%swap3A_587, %swap3A_588] {strides = array<i32>} : memref<4x128xi32, #tpu.memory_space<vmem>>, vector<16xi32>,
    tpu.vector_store %arg10[%swap3A_587, %swap3A_588], %gather3A_581 {strides = array<i32>} : memref<4x128xi32, #tpu.memory_space<vmem>>, vector<16xi32>,
    %add3A_590 = arith.constant 496 : i32
    %add3A_591 = vector.broadcast %add3A_590 : i32 to vector<16xi32>
    %add3A_592 = arith.addi %iota3A, %add3A_591 : vector<16xi32>
    %mul3A_593 = arith.constant 3 : i32
    %mul3A_594 = vector.broadcast %mul3A_593 : i32 to vector<16xi32>
    %mul3A_595 = arith.muli %add3A_592, %mul3A_594 : vector<16xi32>
    %gather3A_596 = tpu.vector_load_idx %arg8[%mul3A_595] : memref<1536xi32, #tpu.memory_space<vmem>>[vector<16xi32>], vector<16xi32>,
    %add3A_597 = arith.constant 1 : i32
    %add3A_598 = vector.broadcast %add3A_597 : i32 to vector<16xi32>
    %add3A_599 = arith.addi %mul3A_595, %add3A_598 : vector<16xi32>
    %gather3A_600 = tpu.vector_load_idx %arg8[%add3A_599] : memref<1536xi32, #tpu.memory_space<vmem>>[vector<16xi32>], vector<16xi32>,
    %swap3A_601 = arith.constant 3 : i32
    %swap3A_602 = arith.index_cast %swap3A_601 : i32 to index
    %swap3A_603 = arith.constant 112 : index
    %swap3A_604 = tpu.vector_load %arg9[%swap3A_602, %swap3A_603] {strides = array<i32>} : memref<4x128xi32, #tpu.memory_space<vmem>>, vector<16xi32>,
    tpu.vector_store %arg9[%swap3A_602, %swap3A_603], %gather3A_596 {strides = array<i32>} : memref<4x128xi32, #tpu.memory_space<vmem>>, vector<16xi32>,
    %swap3A_605 = arith.constant 3 : i32
    %swap3A_606 = arith.index_cast %swap3A_605 : i32 to index
    %swap3A_607 = arith.constant 112 : index
    %swap3A_608 = tpu.vector_load %arg10[%swap3A_606, %swap3A_607] {strides = array<i32>} : memref<4x128xi32, #tpu.memory_space<vmem>>, vector<16xi32>,
    tpu.vector_store %arg10[%swap3A_606, %swap3A_607], %gather3A_600 {strides = array<i32>} : memref<4x128xi32, #tpu.memory_space<vmem>>, vector<16xi32>,
    %dma_start3A = arith.constant 0 : i32
    %dma_start3A_609 = arith.constant 0 : i32
    %dma_start3A_610 = arith.constant 0 : i32
    %dma_start3A_611 = tpu.memref_slice %arg11[%dma_start3A_609, %dma_start3A_610] : memref<512x64xf32, #tpu.memory_space<vmem>> -> memref<128x64xf32, #tpu.memory_space<vmem>>
    %dma_start3A_612 = arith.constant 0 : i32
    %dma_start3A_613 = tpu.memref_slice %arg9[%dma_start3A, %dma_start3A_612] : memref<4x128xi32, #tpu.memory_space<vmem>> -> memref<1x128xi32, #tpu.memory_space<vmem>>
    %dma_start3A_614 = tpu.memref_squeeze %dma_start3A_613 : memref<1x128xi32, #tpu.memory_space<vmem>> -> memref<128xi32, #tpu.memory_space<vmem>>
    %dma_start3A_615 = arith.constant 0 : i32
    %dma_start3A_616 = arith.constant 0 : i32
    %dma_start3A_617 = tpu.memref_slice %arg3[%dma_start3A_615, %dma_start3A_616] : memref<1000000x64xf32, #tpu.memory_space<hbm>> -> memref<1000000x64xf32, #tpu.memory_space<hbm>>
    tpu.enqueue_indirect_dma source(%dma_start3A_617 : memref<1000000x64xf32, #tpu.memory_space<hbm>>) target(%dma_start3A_611 : memref<128x64xf32, #tpu.memory_space<vmem>>) offsets(%dma_start3A_614 : memref<128xi32, #tpu.memory_space<vmem>>) semaphore(%arg17 : memref<!tpu.dma_semaphore, #tpu.memory_space<semaphore_mem>>)
    %dma_start3A_618 = arith.constant 0 : i32
    %dma_start3A_619 = arith.constant 0 : i32
    %dma_start3A_620 = arith.constant 0 : i32
    %dma_start3A_621 = tpu.memref_slice %arg12[%dma_start3A_619, %dma_start3A_620] : memref<512x64xf32, #tpu.memory_space<vmem>> -> memref<128x64xf32, #tpu.memory_space<vmem>>
    %dma_start3A_622 = arith.constant 0 : i32
    %dma_start3A_623 = tpu.memref_slice %arg10[%dma_start3A_618, %dma_start3A_622] : memref<4x128xi32, #tpu.memory_space<vmem>> -> memref<1x128xi32, #tpu.memory_space<vmem>>
    %dma_start3A_624 = tpu.memref_squeeze %dma_start3A_623 : memref<1x128xi32, #tpu.memory_space<vmem>> -> memref<128xi32, #tpu.memory_space<vmem>>
    %dma_start3A_625 = arith.constant 0 : i32
    %dma_start3A_626 = arith.constant 0 : i32
    %dma_start3A_627 = tpu.memref_slice %arg4[%dma_start3A_625, %dma_start3A_626] : memref<1000000x64xf32, #tpu.memory_space<hbm>> -> memref<1000000x64xf32, #tpu.memory_space<hbm>>
    tpu.enqueue_indirect_dma source(%dma_start3A_627 : memref<1000000x64xf32, #tpu.memory_space<hbm>>) target(%dma_start3A_621 : memref<128x64xf32, #tpu.memory_space<vmem>>) offsets(%dma_start3A_624 : memref<128xi32, #tpu.memory_space<vmem>>) semaphore(%arg17 : memref<!tpu.dma_semaphore, #tpu.memory_space<semaphore_mem>>)
    %dma_start3A_628 = arith.constant 0 : i32
    %dma_start3A_629 = arith.constant 0 : i32
    %dma_start3A_630 = tpu.memref_slice %arg13[%dma_start3A_629] : memref<512xf32, #tpu.memory_space<vmem>> -> memref<128xf32, #tpu.memory_space<vmem>>
    %dma_start3A_631 = arith.constant 0 : i32
    %dma_start3A_632 = tpu.memref_slice %arg9[%dma_start3A_628, %dma_start3A_631] : memref<4x128xi32, #tpu.memory_space<vmem>> -> memref<1x128xi32, #tpu.memory_space<vmem>>
    %dma_start3A_633 = tpu.memref_squeeze %dma_start3A_632 : memref<1x128xi32, #tpu.memory_space<vmem>> -> memref<128xi32, #tpu.memory_space<vmem>>
    %dma_start3A_634 = arith.constant 0 : i32
    %dma_start3A_635 = tpu.memref_slice %arg5[%dma_start3A_634] : memref<1000000xf32, #tpu.memory_space<hbm>> -> memref<1000000xf32, #tpu.memory_space<hbm>>
    tpu.enqueue_indirect_dma source(%dma_start3A_635 : memref<1000000xf32, #tpu.memory_space<hbm>>) target(%dma_start3A_630 : memref<128xf32, #tpu.memory_space<vmem>>) offsets(%dma_start3A_633 : memref<128xi32, #tpu.memory_space<vmem>>) semaphore(%arg17 : memref<!tpu.dma_semaphore, #tpu.memory_space<semaphore_mem>>)
    %dma_start3A_636 = arith.constant 0 : i32
    %dma_start3A_637 = arith.constant 0 : i32
    %dma_start3A_638 = tpu.memref_slice %arg14[%dma_start3A_637] : memref<512xf32, #tpu.memory_space<vmem>> -> memref<128xf32, #tpu.memory_space<vmem>>
    %dma_start3A_639 = arith.constant 0 : i32
    %dma_start3A_640 = tpu.memref_slice %arg10[%dma_start3A_636, %dma_start3A_639] : memref<4x128xi32, #tpu.memory_space<vmem>> -> memref<1x128xi32, #tpu.memory_space<vmem>>
    %dma_start3A_641 = tpu.memref_squeeze %dma_start3A_640 : memref<1x128xi32, #tpu.memory_space<vmem>> -> memref<128xi32, #tpu.memory_space<vmem>>
    %dma_start3A_642 = arith.constant 0 : i32
    %dma_start3A_643 = tpu.memref_slice %arg6[%dma_start3A_642] : memref<1000000xf32, #tpu.memory_space<hbm>> -> memref<1000000xf32, #tpu.memory_space<hbm>>
    tpu.enqueue_indirect_dma source(%dma_start3A_643 : memref<1000000xf32, #tpu.memory_space<hbm>>) target(%dma_start3A_638 : memref<128xf32, #tpu.memory_space<vmem>>) offsets(%dma_start3A_641 : memref<128xi32, #tpu.memory_space<vmem>>) semaphore(%arg17 : memref<!tpu.dma_semaphore, #tpu.memory_space<semaphore_mem>>)
    %dma_start3A_644 = arith.constant 1 : i32
    %dma_start3A_645 = arith.constant 128 : i32
    %dma_start3A_646 = arith.constant 0 : i32
    %dma_start3A_647 = tpu.memref_slice %arg11[%dma_start3A_645, %dma_start3A_646] : memref<512x64xf32, #tpu.memory_space<vmem>> -> memref<128x64xf32, #tpu.memory_space<vmem>>
    %dma_start3A_648 = arith.constant 0 : i32
    %dma_start3A_649 = tpu.memref_slice %arg9[%dma_start3A_644, %dma_start3A_648] : memref<4x128xi32, #tpu.memory_space<vmem>> -> memref<1x128xi32, #tpu.memory_space<vmem>>
    %dma_start3A_650 = tpu.memref_squeeze %dma_start3A_649 : memref<1x128xi32, #tpu.memory_space<vmem>> -> memref<128xi32, #tpu.memory_space<vmem>>
    %dma_start3A_651 = arith.constant 0 : i32
    %dma_start3A_652 = arith.constant 0 : i32
    %dma_start3A_653 = tpu.memref_slice %arg3[%dma_start3A_651, %dma_start3A_652] : memref<1000000x64xf32, #tpu.memory_space<hbm>> -> memref<1000000x64xf32, #tpu.memory_space<hbm>>
    tpu.enqueue_indirect_dma source(%dma_start3A_653 : memref<1000000x64xf32, #tpu.memory_space<hbm>>) target(%dma_start3A_647 : memref<128x64xf32, #tpu.memory_space<vmem>>) offsets(%dma_start3A_650 : memref<128xi32, #tpu.memory_space<vmem>>) semaphore(%arg17 : memref<!tpu.dma_semaphore, #tpu.memory_space<semaphore_mem>>)
    %dma_start3A_654 = arith.constant 1 : i32
    %dma_start3A_655 = arith.constant 128 : i32
    %dma_start3A_656 = arith.constant 0 : i32
    %dma_start3A_657 = tpu.memref_slice %arg12[%dma_start3A_655, %dma_start3A_656] : memref<512x64xf32, #tpu.memory_space<vmem>> -> memref<128x64xf32, #tpu.memory_space<vmem>>
    %dma_start3A_658 = arith.constant 0 : i32
    %dma_start3A_659 = tpu.memref_slice %arg10[%dma_start3A_654, %dma_start3A_658] : memref<4x128xi32, #tpu.memory_space<vmem>> -> memref<1x128xi32, #tpu.memory_space<vmem>>
    %dma_start3A_660 = tpu.memref_squeeze %dma_start3A_659 : memref<1x128xi32, #tpu.memory_space<vmem>> -> memref<128xi32, #tpu.memory_space<vmem>>
    %dma_start3A_661 = arith.constant 0 : i32
    %dma_start3A_662 = arith.constant 0 : i32
    %dma_start3A_663 = tpu.memref_slice %arg4[%dma_start3A_661, %dma_start3A_662] : memref<1000000x64xf32, #tpu.memory_space<hbm>> -> memref<1000000x64xf32, #tpu.memory_space<hbm>>
    tpu.enqueue_indirect_dma source(%dma_start3A_663 : memref<1000000x64xf32, #tpu.memory_space<hbm>>) target(%dma_start3A_657 : memref<128x64xf32, #tpu.memory_space<vmem>>) offsets(%dma_start3A_660 : memref<128xi32, #tpu.memory_space<vmem>>) semaphore(%arg17 : memref<!tpu.dma_semaphore, #tpu.memory_space<semaphore_mem>>)
    %dma_start3A_664 = arith.constant 1 : i32
    %dma_start3A_665 = arith.constant 128 : i32
    %dma_start3A_666 = tpu.memref_slice %arg13[%dma_start3A_665] : memref<512xf32, #tpu.memory_space<vmem>> -> memref<128xf32, #tpu.memory_space<vmem>>
    %dma_start3A_667 = arith.constant 0 : i32
    %dma_start3A_668 = tpu.memref_slice %arg9[%dma_start3A_664, %dma_start3A_667] : memref<4x128xi32, #tpu.memory_space<vmem>> -> memref<1x128xi32, #tpu.memory_space<vmem>>
    %dma_start3A_669 = tpu.memref_squeeze %dma_start3A_668 : memref<1x128xi32, #tpu.memory_space<vmem>> -> memref<128xi32, #tpu.memory_space<vmem>>
    %dma_start3A_670 = arith.constant 0 : i32
    %dma_start3A_671 = tpu.memref_slice %arg5[%dma_start3A_670] : memref<1000000xf32, #tpu.memory_space<hbm>> -> memref<1000000xf32, #tpu.memory_space<hbm>>
    tpu.enqueue_indirect_dma source(%dma_start3A_671 : memref<1000000xf32, #tpu.memory_space<hbm>>) target(%dma_start3A_666 : memref<128xf32, #tpu.memory_space<vmem>>) offsets(%dma_start3A_669 : memref<128xi32, #tpu.memory_space<vmem>>) semaphore(%arg17 : memref<!tpu.dma_semaphore, #tpu.memory_space<semaphore_mem>>)
    %dma_start3A_672 = arith.constant 1 : i32
    %dma_start3A_673 = arith.constant 128 : i32
    %dma_start3A_674 = tpu.memref_slice %arg14[%dma_start3A_673] : memref<512xf32, #tpu.memory_space<vmem>> -> memref<128xf32, #tpu.memory_space<vmem>>
    %dma_start3A_675 = arith.constant 0 : i32
    %dma_start3A_676 = tpu.memref_slice %arg10[%dma_start3A_672, %dma_start3A_675] : memref<4x128xi32, #tpu.memory_space<vmem>> -> memref<1x128xi32, #tpu.memory_space<vmem>>
    %dma_start3A_677 = tpu.memref_squeeze %dma_start3A_676 : memref<1x128xi32, #tpu.memory_space<vmem>> -> memref<128xi32, #tpu.memory_space<vmem>>
    %dma_start3A_678 = arith.constant 0 : i32
    %dma_start3A_679 = tpu.memref_slice %arg6[%dma_start3A_678] : memref<1000000xf32, #tpu.memory_space<hbm>> -> memref<1000000xf32, #tpu.memory_space<hbm>>
    tpu.enqueue_indirect_dma source(%dma_start3A_679 : memref<1000000xf32, #tpu.memory_space<hbm>>) target(%dma_start3A_674 : memref<128xf32, #tpu.memory_space<vmem>>) offsets(%dma_start3A_677 : memref<128xi32, #tpu.memory_space<vmem>>) semaphore(%arg17 : memref<!tpu.dma_semaphore, #tpu.memory_space<semaphore_mem>>)
    %dma_start3A_680 = arith.constant 2 : i32
    %dma_start3A_681 = arith.constant 256 : i32
    %dma_start3A_682 = arith.constant 0 : i32
    %dma_start3A_683 = tpu.memref_slice %arg11[%dma_start3A_681, %dma_start3A_682] : memref<512x64xf32, #tpu.memory_space<vmem>> -> memref<128x64xf32, #tpu.memory_space<vmem>>
    %dma_start3A_684 = arith.constant 0 : i32
    %dma_start3A_685 = tpu.memref_slice %arg9[%dma_start3A_680, %dma_start3A_684] : memref<4x128xi32, #tpu.memory_space<vmem>> -> memref<1x128xi32, #tpu.memory_space<vmem>>
    %dma_start3A_686 = tpu.memref_squeeze %dma_start3A_685 : memref<1x128xi32, #tpu.memory_space<vmem>> -> memref<128xi32, #tpu.memory_space<vmem>>
    %dma_start3A_687 = arith.constant 0 : i32
    %dma_start3A_688 = arith.constant 0 : i32
    %dma_start3A_689 = tpu.memref_slice %arg3[%dma_start3A_687, %dma_start3A_688] : memref<1000000x64xf32, #tpu.memory_space<hbm>> -> memref<1000000x64xf32, #tpu.memory_space<hbm>>
    tpu.enqueue_indirect_dma source(%dma_start3A_689 : memref<1000000x64xf32, #tpu.memory_space<hbm>>) target(%dma_start3A_683 : memref<128x64xf32, #tpu.memory_space<vmem>>) offsets(%dma_start3A_686 : memref<128xi32, #tpu.memory_space<vmem>>) semaphore(%arg17 : memref<!tpu.dma_semaphore, #tpu.memory_space<semaphore_mem>>)
    %dma_start3A_690 = arith.constant 2 : i32
    %dma_start3A_691 = arith.constant 256 : i32
    %dma_start3A_692 = arith.constant 0 : i32
    %dma_start3A_693 = tpu.memref_slice %arg12[%dma_start3A_691, %dma_start3A_692] : memref<512x64xf32, #tpu.memory_space<vmem>> -> memref<128x64xf32, #tpu.memory_space<vmem>>
    %dma_start3A_694 = arith.constant 0 : i32
    %dma_start3A_695 = tpu.memref_slice %arg10[%dma_start3A_690, %dma_start3A_694] : memref<4x128xi32, #tpu.memory_space<vmem>> -> memref<1x128xi32, #tpu.memory_space<vmem>>
    %dma_start3A_696 = tpu.memref_squeeze %dma_start3A_695 : memref<1x128xi32, #tpu.memory_space<vmem>> -> memref<128xi32, #tpu.memory_space<vmem>>
    %dma_start3A_697 = arith.constant 0 : i32
    %dma_start3A_698 = arith.constant 0 : i32
    %dma_start3A_699 = tpu.memref_slice %arg4[%dma_start3A_697, %dma_start3A_698] : memref<1000000x64xf32, #tpu.memory_space<hbm>> -> memref<1000000x64xf32, #tpu.memory_space<hbm>>
    tpu.enqueue_indirect_dma source(%dma_start3A_699 : memref<1000000x64xf32, #tpu.memory_space<hbm>>) target(%dma_start3A_693 : memref<128x64xf32, #tpu.memory_space<vmem>>) offsets(%dma_start3A_696 : memref<128xi32, #tpu.memory_space<vmem>>) semaphore(%arg17 : memref<!tpu.dma_semaphore, #tpu.memory_space<semaphore_mem>>)
    %dma_start3A_700 = arith.constant 2 : i32
    %dma_start3A_701 = arith.constant 256 : i32
    %dma_start3A_702 = tpu.memref_slice %arg13[%dma_start3A_701] : memref<512xf32, #tpu.memory_space<vmem>> -> memref<128xf32, #tpu.memory_space<vmem>>
    %dma_start3A_703 = arith.constant 0 : i32
    %dma_start3A_704 = tpu.memref_slice %arg9[%dma_start3A_700, %dma_start3A_703] : memref<4x128xi32, #tpu.memory_space<vmem>> -> memref<1x128xi32, #tpu.memory_space<vmem>>
    %dma_start3A_705 = tpu.memref_squeeze %dma_start3A_704 : memref<1x128xi32, #tpu.memory_space<vmem>> -> memref<128xi32, #tpu.memory_space<vmem>>
    %dma_start3A_706 = arith.constant 0 : i32
    %dma_start3A_707 = tpu.memref_slice %arg5[%dma_start3A_706] : memref<1000000xf32, #tpu.memory_space<hbm>> -> memref<1000000xf32, #tpu.memory_space<hbm>>
    tpu.enqueue_indirect_dma source(%dma_start3A_707 : memref<1000000xf32, #tpu.memory_space<hbm>>) target(%dma_start3A_702 : memref<128xf32, #tpu.memory_space<vmem>>) offsets(%dma_start3A_705 : memref<128xi32, #tpu.memory_space<vmem>>) semaphore(%arg17 : memref<!tpu.dma_semaphore, #tpu.memory_space<semaphore_mem>>)
    %dma_start3A_708 = arith.constant 2 : i32
    %dma_start3A_709 = arith.constant 256 : i32
    %dma_start3A_710 = tpu.memref_slice %arg14[%dma_start3A_709] : memref<512xf32, #tpu.memory_space<vmem>> -> memref<128xf32, #tpu.memory_space<vmem>>
    %dma_start3A_711 = arith.constant 0 : i32
    %dma_start3A_712 = tpu.memref_slice %arg10[%dma_start3A_708, %dma_start3A_711] : memref<4x128xi32, #tpu.memory_space<vmem>> -> memref<1x128xi32, #tpu.memory_space<vmem>>
    %dma_start3A_713 = tpu.memref_squeeze %dma_start3A_712 : memref<1x128xi32, #tpu.memory_space<vmem>> -> memref<128xi32, #tpu.memory_space<vmem>>
    %dma_start3A_714 = arith.constant 0 : i32
    %dma_start3A_715 = tpu.memref_slice %arg6[%dma_start3A_714] : memref<1000000xf32, #tpu.memory_space<hbm>> -> memref<1000000xf32, #tpu.memory_space<hbm>>
    tpu.enqueue_indirect_dma source(%dma_start3A_715 : memref<1000000xf32, #tpu.memory_space<hbm>>) target(%dma_start3A_710 : memref<128xf32, #tpu.memory_space<vmem>>) offsets(%dma_start3A_713 : memref<128xi32, #tpu.memory_space<vmem>>) semaphore(%arg17 : memref<!tpu.dma_semaphore, #tpu.memory_space<semaphore_mem>>)
    %dma_start3A_716 = arith.constant 3 : i32
    %dma_start3A_717 = arith.constant 384 : i32
    %dma_start3A_718 = arith.constant 0 : i32
    %dma_start3A_719 = tpu.memref_slice %arg11[%dma_start3A_717, %dma_start3A_718] : memref<512x64xf32, #tpu.memory_space<vmem>> -> memref<128x64xf32, #tpu.memory_space<vmem>>
    %dma_start3A_720 = arith.constant 0 : i32
    %dma_start3A_721 = tpu.memref_slice %arg9[%dma_start3A_716, %dma_start3A_720] : memref<4x128xi32, #tpu.memory_space<vmem>> -> memref<1x128xi32, #tpu.memory_space<vmem>>
    %dma_start3A_722 = tpu.memref_squeeze %dma_start3A_721 : memref<1x128xi32, #tpu.memory_space<vmem>> -> memref<128xi32, #tpu.memory_space<vmem>>
    %dma_start3A_723 = arith.constant 0 : i32
    %dma_start3A_724 = arith.constant 0 : i32
    %dma_start3A_725 = tpu.memref_slice %arg3[%dma_start3A_723, %dma_start3A_724] : memref<1000000x64xf32, #tpu.memory_space<hbm>> -> memref<1000000x64xf32, #tpu.memory_space<hbm>>
    tpu.enqueue_indirect_dma source(%dma_start3A_725 : memref<1000000x64xf32, #tpu.memory_space<hbm>>) target(%dma_start3A_719 : memref<128x64xf32, #tpu.memory_space<vmem>>) offsets(%dma_start3A_722 : memref<128xi32, #tpu.memory_space<vmem>>) semaphore(%arg17 : memref<!tpu.dma_semaphore, #tpu.memory_space<semaphore_mem>>)
    %dma_start3A_726 = arith.constant 3 : i32
    %dma_start3A_727 = arith.constant 384 : i32
    %dma_start3A_728 = arith.constant 0 : i32
    %dma_start3A_729 = tpu.memref_slice %arg12[%dma_start3A_727, %dma_start3A_728] : memref<512x64xf32, #tpu.memory_space<vmem>> -> memref<128x64xf32, #tpu.memory_space<vmem>>
    %dma_start3A_730 = arith.constant 0 : i32
    %dma_start3A_731 = tpu.memref_slice %arg10[%dma_start3A_726, %dma_start3A_730] : memref<4x128xi32, #tpu.memory_space<vmem>> -> memref<1x128xi32, #tpu.memory_space<vmem>>
    %dma_start3A_732 = tpu.memref_squeeze %dma_start3A_731 : memref<1x128xi32, #tpu.memory_space<vmem>> -> memref<128xi32, #tpu.memory_space<vmem>>
    %dma_start3A_733 = arith.constant 0 : i32
    %dma_start3A_734 = arith.constant 0 : i32
    %dma_start3A_735 = tpu.memref_slice %arg4[%dma_start3A_733, %dma_start3A_734] : memref<1000000x64xf32, #tpu.memory_space<hbm>> -> memref<1000000x64xf32, #tpu.memory_space<hbm>>
    tpu.enqueue_indirect_dma source(%dma_start3A_735 : memref<1000000x64xf32, #tpu.memory_space<hbm>>) target(%dma_start3A_729 : memref<128x64xf32, #tpu.memory_space<vmem>>) offsets(%dma_start3A_732 : memref<128xi32, #tpu.memory_space<vmem>>) semaphore(%arg17 : memref<!tpu.dma_semaphore, #tpu.memory_space<semaphore_mem>>)
    %dma_start3A_736 = arith.constant 3 : i32
    %dma_start3A_737 = arith.constant 384 : i32
    %dma_start3A_738 = tpu.memref_slice %arg13[%dma_start3A_737] : memref<512xf32, #tpu.memory_space<vmem>> -> memref<128xf32, #tpu.memory_space<vmem>>
    %dma_start3A_739 = arith.constant 0 : i32
    %dma_start3A_740 = tpu.memref_slice %arg9[%dma_start3A_736, %dma_start3A_739] : memref<4x128xi32, #tpu.memory_space<vmem>> -> memref<1x128xi32, #tpu.memory_space<vmem>>
    %dma_start3A_741 = tpu.memref_squeeze %dma_start3A_740 : memref<1x128xi32, #tpu.memory_space<vmem>> -> memref<128xi32, #tpu.memory_space<vmem>>
    %dma_start3A_742 = arith.constant 0 : i32
    %dma_start3A_743 = tpu.memref_slice %arg5[%dma_start3A_742] : memref<1000000xf32, #tpu.memory_space<hbm>> -> memref<1000000xf32, #tpu.memory_space<hbm>>
    tpu.enqueue_indirect_dma source(%dma_start3A_743 : memref<1000000xf32, #tpu.memory_space<hbm>>) target(%dma_start3A_738 : memref<128xf32, #tpu.memory_space<vmem>>) offsets(%dma_start3A_741 : memref<128xi32, #tpu.memory_space<vmem>>) semaphore(%arg17 : memref<!tpu.dma_semaphore, #tpu.memory_space<semaphore_mem>>)
    %dma_start3A_744 = arith.constant 3 : i32
    %dma_start3A_745 = arith.constant 384 : i32
    %dma_start3A_746 = tpu.memref_slice %arg14[%dma_start3A_745] : memref<512xf32, #tpu.memory_space<vmem>> -> memref<128xf32, #tpu.memory_space<vmem>>
    %dma_start3A_747 = arith.constant 0 : i32
    %dma_start3A_748 = tpu.memref_slice %arg10[%dma_start3A_744, %dma_start3A_747] : memref<4x128xi32, #tpu.memory_space<vmem>> -> memref<1x128xi32, #tpu.memory_space<vmem>>
    %dma_start3A_749 = tpu.memref_squeeze %dma_start3A_748 : memref<1x128xi32, #tpu.memory_space<vmem>> -> memref<128xi32, #tpu.memory_space<vmem>>
    %dma_start3A_750 = arith.constant 0 : i32
    %dma_start3A_751 = tpu.memref_slice %arg6[%dma_start3A_750] : memref<1000000xf32, #tpu.memory_space<hbm>> -> memref<1000000xf32, #tpu.memory_space<hbm>>
    tpu.enqueue_indirect_dma source(%dma_start3A_751 : memref<1000000xf32, #tpu.memory_space<hbm>>) target(%dma_start3A_746 : memref<128xf32, #tpu.memory_space<vmem>>) offsets(%dma_start3A_749 : memref<128xi32, #tpu.memory_space<vmem>>) semaphore(%arg17 : memref<!tpu.dma_semaphore, #tpu.memory_space<semaphore_mem>>)
    %dma_wait3A = arith.constant 0 : i32
    %dma_wait3A_752 = arith.constant 0 : i32
    %dma_wait3A_753 = arith.constant 0 : i32
    %dma_wait3A_754 = tpu.memref_slice %arg11[%dma_wait3A_752, %dma_wait3A_753] : memref<512x64xf32, #tpu.memory_space<vmem>> -> memref<128x64xf32, #tpu.memory_space<vmem>>
    %dma_wait3A_755 = arith.constant 0 : i32
    %dma_wait3A_756 = tpu.memref_slice %arg9[%dma_wait3A, %dma_wait3A_755] : memref<4x128xi32, #tpu.memory_space<vmem>> -> memref<1x128xi32, #tpu.memory_space<vmem>>
    %dma_wait3A_757 = tpu.memref_squeeze %dma_wait3A_756 : memref<1x128xi32, #tpu.memory_space<vmem>> -> memref<128xi32, #tpu.memory_space<vmem>>
    %dma_wait3A_758 = arith.constant 0 : i32
    %dma_wait3A_759 = arith.constant 0 : i32
    %dma_wait3A_760 = tpu.memref_slice %arg3[%dma_wait3A_758, %dma_wait3A_759] : memref<1000000x64xf32, #tpu.memory_space<hbm>> -> memref<1000000x64xf32, #tpu.memory_space<hbm>>
    tpu.wait_indirect_dma semaphore(%arg17 : memref<!tpu.dma_semaphore, #tpu.memory_space<semaphore_mem>>) src(%dma_wait3A_760 : memref<1000000x64xf32, #tpu.memory_space<hbm>>) dst(%dma_wait3A_754 : memref<128x64xf32, #tpu.memory_space<vmem>>)
    %dma_wait3A_761 = arith.constant 0 : i32
    %dma_wait3A_762 = arith.constant 0 : i32
    %dma_wait3A_763 = arith.constant 0 : i32
    %dma_wait3A_764 = tpu.memref_slice %arg12[%dma_wait3A_762, %dma_wait3A_763] : memref<512x64xf32, #tpu.memory_space<vmem>> -> memref<128x64xf32, #tpu.memory_space<vmem>>
    %dma_wait3A_765 = arith.constant 0 : i32
    %dma_wait3A_766 = tpu.memref_slice %arg10[%dma_wait3A_761, %dma_wait3A_765] : memref<4x128xi32, #tpu.memory_space<vmem>> -> memref<1x128xi32, #tpu.memory_space<vmem>>
    %dma_wait3A_767 = tpu.memref_squeeze %dma_wait3A_766 : memref<1x128xi32, #tpu.memory_space<vmem>> -> memref<128xi32, #tpu.memory_space<vmem>>
    %dma_wait3A_768 = arith.constant 0 : i32
    %dma_wait3A_769 = arith.constant 0 : i32
    %dma_wait3A_770 = tpu.memref_slice %arg4[%dma_wait3A_768, %dma_wait3A_769] : memref<1000000x64xf32, #tpu.memory_space<hbm>> -> memref<1000000x64xf32, #tpu.memory_space<hbm>>
    tpu.wait_indirect_dma semaphore(%arg17 : memref<!tpu.dma_semaphore, #tpu.memory_space<semaphore_mem>>) src(%dma_wait3A_770 : memref<1000000x64xf32, #tpu.memory_space<hbm>>) dst(%dma_wait3A_764 : memref<128x64xf32, #tpu.memory_space<vmem>>)
    %dma_wait3A_771 = arith.constant 0 : i32
    %dma_wait3A_772 = arith.constant 0 : i32
    %dma_wait3A_773 = tpu.memref_slice %arg13[%dma_wait3A_772] : memref<512xf32, #tpu.memory_space<vmem>> -> memref<128xf32, #tpu.memory_space<vmem>>
    %dma_wait3A_774 = arith.constant 0 : i32
    %dma_wait3A_775 = tpu.memref_slice %arg9[%dma_wait3A_771, %dma_wait3A_774] : memref<4x128xi32, #tpu.memory_space<vmem>> -> memref<1x128xi32, #tpu.memory_space<vmem>>
    %dma_wait3A_776 = tpu.memref_squeeze %dma_wait3A_775 : memref<1x128xi32, #tpu.memory_space<vmem>> -> memref<128xi32, #tpu.memory_space<vmem>>
    %dma_wait3A_777 = arith.constant 0 : i32
    %dma_wait3A_778 = tpu.memref_slice %arg5[%dma_wait3A_777] : memref<1000000xf32, #tpu.memory_space<hbm>> -> memref<1000000xf32, #tpu.memory_space<hbm>>
    tpu.wait_indirect_dma semaphore(%arg17 : memref<!tpu.dma_semaphore, #tpu.memory_space<semaphore_mem>>) src(%dma_wait3A_778 : memref<1000000xf32, #tpu.memory_space<hbm>>) dst(%dma_wait3A_773 : memref<128xf32, #tpu.memory_space<vmem>>)
    %dma_wait3A_779 = arith.constant 0 : i32
    %dma_wait3A_780 = arith.constant 0 : i32
    %dma_wait3A_781 = tpu.memref_slice %arg14[%dma_wait3A_780] : memref<512xf32, #tpu.memory_space<vmem>> -> memref<128xf32, #tpu.memory_space<vmem>>
    %dma_wait3A_782 = arith.constant 0 : i32
    %dma_wait3A_783 = tpu.memref_slice %arg10[%dma_wait3A_779, %dma_wait3A_782] : memref<4x128xi32, #tpu.memory_space<vmem>> -> memref<1x128xi32, #tpu.memory_space<vmem>>
    %dma_wait3A_784 = tpu.memref_squeeze %dma_wait3A_783 : memref<1x128xi32, #tpu.memory_space<vmem>> -> memref<128xi32, #tpu.memory_space<vmem>>
    %dma_wait3A_785 = arith.constant 0 : i32
    %dma_wait3A_786 = tpu.memref_slice %arg6[%dma_wait3A_785] : memref<1000000xf32, #tpu.memory_space<hbm>> -> memref<1000000xf32, #tpu.memory_space<hbm>>
    tpu.wait_indirect_dma semaphore(%arg17 : memref<!tpu.dma_semaphore, #tpu.memory_space<semaphore_mem>>) src(%dma_wait3A_786 : memref<1000000xf32, #tpu.memory_space<hbm>>) dst(%dma_wait3A_781 : memref<128xf32, #tpu.memory_space<vmem>>)
    %dma_wait3A_787 = arith.constant 1 : i32
    %dma_wait3A_788 = arith.constant 128 : i32
    %dma_wait3A_789 = arith.constant 0 : i32
    %dma_wait3A_790 = tpu.memref_slice %arg11[%dma_wait3A_788, %dma_wait3A_789] : memref<512x64xf32, #tpu.memory_space<vmem>> -> memref<128x64xf32, #tpu.memory_space<vmem>>
    %dma_wait3A_791 = arith.constant 0 : i32
    %dma_wait3A_792 = tpu.memref_slice %arg9[%dma_wait3A_787, %dma_wait3A_791] : memref<4x128xi32, #tpu.memory_space<vmem>> -> memref<1x128xi32, #tpu.memory_space<vmem>>
    %dma_wait3A_793 = tpu.memref_squeeze %dma_wait3A_792 : memref<1x128xi32, #tpu.memory_space<vmem>> -> memref<128xi32, #tpu.memory_space<vmem>>
    %dma_wait3A_794 = arith.constant 0 : i32
    %dma_wait3A_795 = arith.constant 0 : i32
    %dma_wait3A_796 = tpu.memref_slice %arg3[%dma_wait3A_794, %dma_wait3A_795] : memref<1000000x64xf32, #tpu.memory_space<hbm>> -> memref<1000000x64xf32, #tpu.memory_space<hbm>>
    tpu.wait_indirect_dma semaphore(%arg17 : memref<!tpu.dma_semaphore, #tpu.memory_space<semaphore_mem>>) src(%dma_wait3A_796 : memref<1000000x64xf32, #tpu.memory_space<hbm>>) dst(%dma_wait3A_790 : memref<128x64xf32, #tpu.memory_space<vmem>>)
    %dma_wait3A_797 = arith.constant 1 : i32
    %dma_wait3A_798 = arith.constant 128 : i32
    %dma_wait3A_799 = arith.constant 0 : i32
    %dma_wait3A_800 = tpu.memref_slice %arg12[%dma_wait3A_798, %dma_wait3A_799] : memref<512x64xf32, #tpu.memory_space<vmem>> -> memref<128x64xf32, #tpu.memory_space<vmem>>
    %dma_wait3A_801 = arith.constant 0 : i32
    %dma_wait3A_802 = tpu.memref_slice %arg10[%dma_wait3A_797, %dma_wait3A_801] : memref<4x128xi32, #tpu.memory_space<vmem>> -> memref<1x128xi32, #tpu.memory_space<vmem>>
    %dma_wait3A_803 = tpu.memref_squeeze %dma_wait3A_802 : memref<1x128xi32, #tpu.memory_space<vmem>> -> memref<128xi32, #tpu.memory_space<vmem>>
    %dma_wait3A_804 = arith.constant 0 : i32
    %dma_wait3A_805 = arith.constant 0 : i32
    %dma_wait3A_806 = tpu.memref_slice %arg4[%dma_wait3A_804, %dma_wait3A_805] : memref<1000000x64xf32, #tpu.memory_space<hbm>> -> memref<1000000x64xf32, #tpu.memory_space<hbm>>
    tpu.wait_indirect_dma semaphore(%arg17 : memref<!tpu.dma_semaphore, #tpu.memory_space<semaphore_mem>>) src(%dma_wait3A_806 : memref<1000000x64xf32, #tpu.memory_space<hbm>>) dst(%dma_wait3A_800 : memref<128x64xf32, #tpu.memory_space<vmem>>)
    %dma_wait3A_807 = arith.constant 1 : i32
    %dma_wait3A_808 = arith.constant 128 : i32
    %dma_wait3A_809 = tpu.memref_slice %arg13[%dma_wait3A_808] : memref<512xf32, #tpu.memory_space<vmem>> -> memref<128xf32, #tpu.memory_space<vmem>>
    %dma_wait3A_810 = arith.constant 0 : i32
    %dma_wait3A_811 = tpu.memref_slice %arg9[%dma_wait3A_807, %dma_wait3A_810] : memref<4x128xi32, #tpu.memory_space<vmem>> -> memref<1x128xi32, #tpu.memory_space<vmem>>
    %dma_wait3A_812 = tpu.memref_squeeze %dma_wait3A_811 : memref<1x128xi32, #tpu.memory_space<vmem>> -> memref<128xi32, #tpu.memory_space<vmem>>
    %dma_wait3A_813 = arith.constant 0 : i32
    %dma_wait3A_814 = tpu.memref_slice %arg5[%dma_wait3A_813] : memref<1000000xf32, #tpu.memory_space<hbm>> -> memref<1000000xf32, #tpu.memory_space<hbm>>
    tpu.wait_indirect_dma semaphore(%arg17 : memref<!tpu.dma_semaphore, #tpu.memory_space<semaphore_mem>>) src(%dma_wait3A_814 : memref<1000000xf32, #tpu.memory_space<hbm>>) dst(%dma_wait3A_809 : memref<128xf32, #tpu.memory_space<vmem>>)
    %dma_wait3A_815 = arith.constant 1 : i32
    %dma_wait3A_816 = arith.constant 128 : i32
    %dma_wait3A_817 = tpu.memref_slice %arg14[%dma_wait3A_816] : memref<512xf32, #tpu.memory_space<vmem>> -> memref<128xf32, #tpu.memory_space<vmem>>
    %dma_wait3A_818 = arith.constant 0 : i32
    %dma_wait3A_819 = tpu.memref_slice %arg10[%dma_wait3A_815, %dma_wait3A_818] : memref<4x128xi32, #tpu.memory_space<vmem>> -> memref<1x128xi32, #tpu.memory_space<vmem>>
    %dma_wait3A_820 = tpu.memref_squeeze %dma_wait3A_819 : memref<1x128xi32, #tpu.memory_space<vmem>> -> memref<128xi32, #tpu.memory_space<vmem>>
    %dma_wait3A_821 = arith.constant 0 : i32
    %dma_wait3A_822 = tpu.memref_slice %arg6[%dma_wait3A_821] : memref<1000000xf32, #tpu.memory_space<hbm>> -> memref<1000000xf32, #tpu.memory_space<hbm>>
    tpu.wait_indirect_dma semaphore(%arg17 : memref<!tpu.dma_semaphore, #tpu.memory_space<semaphore_mem>>) src(%dma_wait3A_822 : memref<1000000xf32, #tpu.memory_space<hbm>>) dst(%dma_wait3A_817 : memref<128xf32, #tpu.memory_space<vmem>>)
    %dma_wait3A_823 = arith.constant 2 : i32
    %dma_wait3A_824 = arith.constant 256 : i32
    %dma_wait3A_825 = arith.constant 0 : i32
    %dma_wait3A_826 = tpu.memref_slice %arg11[%dma_wait3A_824, %dma_wait3A_825] : memref<512x64xf32, #tpu.memory_space<vmem>> -> memref<128x64xf32, #tpu.memory_space<vmem>>
    %dma_wait3A_827 = arith.constant 0 : i32
    %dma_wait3A_828 = tpu.memref_slice %arg9[%dma_wait3A_823, %dma_wait3A_827] : memref<4x128xi32, #tpu.memory_space<vmem>> -> memref<1x128xi32, #tpu.memory_space<vmem>>
    %dma_wait3A_829 = tpu.memref_squeeze %dma_wait3A_828 : memref<1x128xi32, #tpu.memory_space<vmem>> -> memref<128xi32, #tpu.memory_space<vmem>>
    %dma_wait3A_830 = arith.constant 0 : i32
    %dma_wait3A_831 = arith.constant 0 : i32
    %dma_wait3A_832 = tpu.memref_slice %arg3[%dma_wait3A_830, %dma_wait3A_831] : memref<1000000x64xf32, #tpu.memory_space<hbm>> -> memref<1000000x64xf32, #tpu.memory_space<hbm>>
    tpu.wait_indirect_dma semaphore(%arg17 : memref<!tpu.dma_semaphore, #tpu.memory_space<semaphore_mem>>) src(%dma_wait3A_832 : memref<1000000x64xf32, #tpu.memory_space<hbm>>) dst(%dma_wait3A_826 : memref<128x64xf32, #tpu.memory_space<vmem>>)
    %dma_wait3A_833 = arith.constant 2 : i32
    %dma_wait3A_834 = arith.constant 256 : i32
    %dma_wait3A_835 = arith.constant 0 : i32
    %dma_wait3A_836 = tpu.memref_slice %arg12[%dma_wait3A_834, %dma_wait3A_835] : memref<512x64xf32, #tpu.memory_space<vmem>> -> memref<128x64xf32, #tpu.memory_space<vmem>>
    %dma_wait3A_837 = arith.constant 0 : i32
    %dma_wait3A_838 = tpu.memref_slice %arg10[%dma_wait3A_833, %dma_wait3A_837] : memref<4x128xi32, #tpu.memory_space<vmem>> -> memref<1x128xi32, #tpu.memory_space<vmem>>
    %dma_wait3A_839 = tpu.memref_squeeze %dma_wait3A_838 : memref<1x128xi32, #tpu.memory_space<vmem>> -> memref<128xi32, #tpu.memory_space<vmem>>
    %dma_wait3A_840 = arith.constant 0 : i32
    %dma_wait3A_841 = arith.constant 0 : i32
    %dma_wait3A_842 = tpu.memref_slice %arg4[%dma_wait3A_840, %dma_wait3A_841] : memref<1000000x64xf32, #tpu.memory_space<hbm>> -> memref<1000000x64xf32, #tpu.memory_space<hbm>>
    tpu.wait_indirect_dma semaphore(%arg17 : memref<!tpu.dma_semaphore, #tpu.memory_space<semaphore_mem>>) src(%dma_wait3A_842 : memref<1000000x64xf32, #tpu.memory_space<hbm>>) dst(%dma_wait3A_836 : memref<128x64xf32, #tpu.memory_space<vmem>>)
    %dma_wait3A_843 = arith.constant 2 : i32
    %dma_wait3A_844 = arith.constant 256 : i32
    %dma_wait3A_845 = tpu.memref_slice %arg13[%dma_wait3A_844] : memref<512xf32, #tpu.memory_space<vmem>> -> memref<128xf32, #tpu.memory_space<vmem>>
    %dma_wait3A_846 = arith.constant 0 : i32
    %dma_wait3A_847 = tpu.memref_slice %arg9[%dma_wait3A_843, %dma_wait3A_846] : memref<4x128xi32, #tpu.memory_space<vmem>> -> memref<1x128xi32, #tpu.memory_space<vmem>>
    %dma_wait3A_848 = tpu.memref_squeeze %dma_wait3A_847 : memref<1x128xi32, #tpu.memory_space<vmem>> -> memref<128xi32, #tpu.memory_space<vmem>>
    %dma_wait3A_849 = arith.constant 0 : i32
    %dma_wait3A_850 = tpu.memref_slice %arg5[%dma_wait3A_849] : memref<1000000xf32, #tpu.memory_space<hbm>> -> memref<1000000xf32, #tpu.memory_space<hbm>>
    tpu.wait_indirect_dma semaphore(%arg17 : memref<!tpu.dma_semaphore, #tpu.memory_space<semaphore_mem>>) src(%dma_wait3A_850 : memref<1000000xf32, #tpu.memory_space<hbm>>) dst(%dma_wait3A_845 : memref<128xf32, #tpu.memory_space<vmem>>)
    %dma_wait3A_851 = arith.constant 2 : i32
    %dma_wait3A_852 = arith.constant 256 : i32
    %dma_wait3A_853 = tpu.memref_slice %arg14[%dma_wait3A_852] : memref<512xf32, #tpu.memory_space<vmem>> -> memref<128xf32, #tpu.memory_space<vmem>>
    %dma_wait3A_854 = arith.constant 0 : i32
    %dma_wait3A_855 = tpu.memref_slice %arg10[%dma_wait3A_851, %dma_wait3A_854] : memref<4x128xi32, #tpu.memory_space<vmem>> -> memref<1x128xi32, #tpu.memory_space<vmem>>
    %dma_wait3A_856 = tpu.memref_squeeze %dma_wait3A_855 : memref<1x128xi32, #tpu.memory_space<vmem>> -> memref<128xi32, #tpu.memory_space<vmem>>
    %dma_wait3A_857 = arith.constant 0 : i32
    %dma_wait3A_858 = tpu.memref_slice %arg6[%dma_wait3A_857] : memref<1000000xf32, #tpu.memory_space<hbm>> -> memref<1000000xf32, #tpu.memory_space<hbm>>
    tpu.wait_indirect_dma semaphore(%arg17 : memref<!tpu.dma_semaphore, #tpu.memory_space<semaphore_mem>>) src(%dma_wait3A_858 : memref<1000000xf32, #tpu.memory_space<hbm>>) dst(%dma_wait3A_853 : memref<128xf32, #tpu.memory_space<vmem>>)
    %dma_wait3A_859 = arith.constant 3 : i32
    %dma_wait3A_860 = arith.constant 384 : i32
    %dma_wait3A_861 = arith.constant 0 : i32
    %dma_wait3A_862 = tpu.memref_slice %arg11[%dma_wait3A_860, %dma_wait3A_861] : memref<512x64xf32, #tpu.memory_space<vmem>> -> memref<128x64xf32, #tpu.memory_space<vmem>>
    %dma_wait3A_863 = arith.constant 0 : i32
    %dma_wait3A_864 = tpu.memref_slice %arg9[%dma_wait3A_859, %dma_wait3A_863] : memref<4x128xi32, #tpu.memory_space<vmem>> -> memref<1x128xi32, #tpu.memory_space<vmem>>
    %dma_wait3A_865 = tpu.memref_squeeze %dma_wait3A_864 : memref<1x128xi32, #tpu.memory_space<vmem>> -> memref<128xi32, #tpu.memory_space<vmem>>
    %dma_wait3A_866 = arith.constant 0 : i32
    %dma_wait3A_867 = arith.constant 0 : i32
    %dma_wait3A_868 = tpu.memref_slice %arg3[%dma_wait3A_866, %dma_wait3A_867] : memref<1000000x64xf32, #tpu.memory_space<hbm>> -> memref<1000000x64xf32, #tpu.memory_space<hbm>>
    tpu.wait_indirect_dma semaphore(%arg17 : memref<!tpu.dma_semaphore, #tpu.memory_space<semaphore_mem>>) src(%dma_wait3A_868 : memref<1000000x64xf32, #tpu.memory_space<hbm>>) dst(%dma_wait3A_862 : memref<128x64xf32, #tpu.memory_space<vmem>>)
    %dma_wait3A_869 = arith.constant 3 : i32
    %dma_wait3A_870 = arith.constant 384 : i32
    %dma_wait3A_871 = arith.constant 0 : i32
    %dma_wait3A_872 = tpu.memref_slice %arg12[%dma_wait3A_870, %dma_wait3A_871] : memref<512x64xf32, #tpu.memory_space<vmem>> -> memref<128x64xf32, #tpu.memory_space<vmem>>
    %dma_wait3A_873 = arith.constant 0 : i32
    %dma_wait3A_874 = tpu.memref_slice %arg10[%dma_wait3A_869, %dma_wait3A_873] : memref<4x128xi32, #tpu.memory_space<vmem>> -> memref<1x128xi32, #tpu.memory_space<vmem>>
    %dma_wait3A_875 = tpu.memref_squeeze %dma_wait3A_874 : memref<1x128xi32, #tpu.memory_space<vmem>> -> memref<128xi32, #tpu.memory_space<vmem>>
    %dma_wait3A_876 = arith.constant 0 : i32
    %dma_wait3A_877 = arith.constant 0 : i32
    %dma_wait3A_878 = tpu.memref_slice %arg4[%dma_wait3A_876, %dma_wait3A_877] : memref<1000000x64xf32, #tpu.memory_space<hbm>> -> memref<1000000x64xf32, #tpu.memory_space<hbm>>
    tpu.wait_indirect_dma semaphore(%arg17 : memref<!tpu.dma_semaphore, #tpu.memory_space<semaphore_mem>>) src(%dma_wait3A_878 : memref<1000000x64xf32, #tpu.memory_space<hbm>>) dst(%dma_wait3A_872 : memref<128x64xf32, #tpu.memory_space<vmem>>)
    %dma_wait3A_879 = arith.constant 3 : i32
    %dma_wait3A_880 = arith.constant 384 : i32
    %dma_wait3A_881 = tpu.memref_slice %arg13[%dma_wait3A_880] : memref<512xf32, #tpu.memory_space<vmem>> -> memref<128xf32, #tpu.memory_space<vmem>>
    %dma_wait3A_882 = arith.constant 0 : i32
    %dma_wait3A_883 = tpu.memref_slice %arg9[%dma_wait3A_879, %dma_wait3A_882] : memref<4x128xi32, #tpu.memory_space<vmem>> -> memref<1x128xi32, #tpu.memory_space<vmem>>
    %dma_wait3A_884 = tpu.memref_squeeze %dma_wait3A_883 : memref<1x128xi32, #tpu.memory_space<vmem>> -> memref<128xi32, #tpu.memory_space<vmem>>
    %dma_wait3A_885 = arith.constant 0 : i32
    %dma_wait3A_886 = tpu.memref_slice %arg5[%dma_wait3A_885] : memref<1000000xf32, #tpu.memory_space<hbm>> -> memref<1000000xf32, #tpu.memory_space<hbm>>
    tpu.wait_indirect_dma semaphore(%arg17 : memref<!tpu.dma_semaphore, #tpu.memory_space<semaphore_mem>>) src(%dma_wait3A_886 : memref<1000000xf32, #tpu.memory_space<hbm>>) dst(%dma_wait3A_881 : memref<128xf32, #tpu.memory_space<vmem>>)
    %dma_wait3A_887 = arith.constant 3 : i32
    %dma_wait3A_888 = arith.constant 384 : i32
    %dma_wait3A_889 = tpu.memref_slice %arg14[%dma_wait3A_888] : memref<512xf32, #tpu.memory_space<vmem>> -> memref<128xf32, #tpu.memory_space<vmem>>
    %dma_wait3A_890 = arith.constant 0 : i32
    %dma_wait3A_891 = tpu.memref_slice %arg10[%dma_wait3A_887, %dma_wait3A_890] : memref<4x128xi32, #tpu.memory_space<vmem>> -> memref<1x128xi32, #tpu.memory_space<vmem>>
    %dma_wait3A_892 = tpu.memref_squeeze %dma_wait3A_891 : memref<1x128xi32, #tpu.memory_space<vmem>> -> memref<128xi32, #tpu.memory_space<vmem>>
    %dma_wait3A_893 = arith.constant 0 : i32
    %dma_wait3A_894 = tpu.memref_slice %arg6[%dma_wait3A_893] : memref<1000000xf32, #tpu.memory_space<hbm>> -> memref<1000000xf32, #tpu.memory_space<hbm>>
    tpu.wait_indirect_dma semaphore(%arg17 : memref<!tpu.dma_semaphore, #tpu.memory_space<semaphore_mem>>) src(%dma_wait3A_894 : memref<1000000xf32, #tpu.memory_space<hbm>>) dst(%dma_wait3A_889 : memref<128xf32, #tpu.memory_space<vmem>>)
    %mul3A_895 = arith.constant 512 : i32
    %mul3A_896 = vector.broadcast %mul3A_895 : i32 to vector<16xi32>
    %mul3A_897 = arith.muli %iota3A, %mul3A_896 : vector<16xi32>
    %scan3A = arith.constant 0 : i32
    %scan3A_898 = arith.constant 0 : i32
    %scan3A_899 = arith.constant 128 : i32
    %scan3A_900 = arith.addi %scan3A_898, %scan3A_899 : i32
    %scan3A_901 = arith.constant 1 : i32
    scf.for %scan3A_909 = %scan3A_898 to %scan3A_900 step %scan3A_901  : i32 {
      %mul3A_910 = arith.constant 4 : i32
      %mul3A_911 = arith.muli %scan3A_909, %mul3A_910 : i32
      %add3A_912 = arith.constant 0 : i32
      %add3A_913 = arith.addi %mul3A_911, %add3A_912 : i32
      %get3A = arith.index_cast %add3A_913 : i32 to index
      %get3A_914 = arith.constant 0 : index
      %get3A_915 = tpu.vector_load %arg11[%get3A, %get3A_914] {strides = array<i32>} : memref<512x64xf32, #tpu.memory_space<vmem>>, vector<16xf32>,
      %get3A_916 = arith.index_cast %add3A_913 : i32 to index
      %get3A_917 = arith.constant 0 : index
      %get3A_918 = tpu.vector_load %arg12[%get3A_916, %get3A_917] {strides = array<i32>} : memref<512x64xf32, #tpu.memory_space<vmem>>, vector<16xf32>,
      %mul3A_919 = arith.mulf %get3A_915, %get3A_918 : vector<16xf32>
      %get3A_920 = arith.index_cast %add3A_913 : i32 to index
      %get3A_921 = arith.constant 16 : index
      %get3A_922 = tpu.vector_load %arg11[%get3A_920, %get3A_921] {strides = array<i32>} : memref<512x64xf32, #tpu.memory_space<vmem>>, vector<16xf32>,
      %get3A_923 = arith.index_cast %add3A_913 : i32 to index
      %get3A_924 = arith.constant 16 : index
      %get3A_925 = tpu.vector_load %arg12[%get3A_923, %get3A_924] {strides = array<i32>} : memref<512x64xf32, #tpu.memory_space<vmem>>, vector<16xf32>,
      %mul3A_926 = arith.mulf %get3A_922, %get3A_925 : vector<16xf32>
      %add3A_927 = arith.addf %mul3A_919, %mul3A_926 : vector<16xf32>
      %get3A_928 = arith.index_cast %add3A_913 : i32 to index
      %get3A_929 = arith.constant 32 : index
      %get3A_930 = tpu.vector_load %arg11[%get3A_928, %get3A_929] {strides = array<i32>} : memref<512x64xf32, #tpu.memory_space<vmem>>, vector<16xf32>,
      %get3A_931 = arith.index_cast %add3A_913 : i32 to index
      %get3A_932 = arith.constant 32 : index
      %get3A_933 = tpu.vector_load %arg12[%get3A_931, %get3A_932] {strides = array<i32>} : memref<512x64xf32, #tpu.memory_space<vmem>>, vector<16xf32>,
      %mul3A_934 = arith.mulf %get3A_930, %get3A_933 : vector<16xf32>
      %add3A_935 = arith.addf %add3A_927, %mul3A_934 : vector<16xf32>
      %get3A_936 = arith.index_cast %add3A_913 : i32 to index
      %get3A_937 = arith.constant 48 : index
      %get3A_938 = tpu.vector_load %arg11[%get3A_936, %get3A_937] {strides = array<i32>} : memref<512x64xf32, #tpu.memory_space<vmem>>, vector<16xf32>,
      %get3A_939 = arith.index_cast %add3A_913 : i32 to index
      %get3A_940 = arith.constant 48 : index
      %get3A_941 = tpu.vector_load %arg12[%get3A_939, %get3A_940] {strides = array<i32>} : memref<512x64xf32, #tpu.memory_space<vmem>>, vector<16xf32>,
      %mul3A_942 = arith.mulf %get3A_938, %get3A_941 : vector<16xf32>
      %add3A_943 = arith.addf %add3A_935, %mul3A_942 : vector<16xf32>
      %add3A_944 = vector.broadcast %add3A_913 : i32 to vector<16xi32>
      %add3A_945 = arith.addi %mul3A_897, %add3A_944 : vector<16xi32>
      tpu.vector_store_idx %arg15[%add3A_945], %add3A_943 : memref<8192xf32, #tpu.memory_space<vmem>>[vector<16xi32>], vector<16xf32>,
      %mul3A_946 = arith.constant 4 : i32
      %mul3A_947 = arith.muli %scan3A_909, %mul3A_946 : i32
      %add3A_948 = arith.constant 1 : i32
      %add3A_949 = arith.addi %mul3A_947, %add3A_948 : i32
      %get3A_950 = arith.index_cast %add3A_949 : i32 to index
      %get3A_951 = arith.constant 0 : index
      %get3A_952 = tpu.vector_load %arg11[%get3A_950, %get3A_951] {strides = array<i32>} : memref<512x64xf32, #tpu.memory_space<vmem>>, vector<16xf32>,
      %get3A_953 = arith.index_cast %add3A_949 : i32 to index
      %get3A_954 = arith.constant 0 : index
      %get3A_955 = tpu.vector_load %arg12[%get3A_953, %get3A_954] {strides = array<i32>} : memref<512x64xf32, #tpu.memory_space<vmem>>, vector<16xf32>,
      %mul3A_956 = arith.mulf %get3A_952, %get3A_955 : vector<16xf32>
      %get3A_957 = arith.index_cast %add3A_949 : i32 to index
      %get3A_958 = arith.constant 16 : index
      %get3A_959 = tpu.vector_load %arg11[%get3A_957, %get3A_958] {strides = array<i32>} : memref<512x64xf32, #tpu.memory_space<vmem>>, vector<16xf32>,
      %get3A_960 = arith.index_cast %add3A_949 : i32 to index
      %get3A_961 = arith.constant 16 : index
      %get3A_962 = tpu.vector_load %arg12[%get3A_960, %get3A_961] {strides = array<i32>} : memref<512x64xf32, #tpu.memory_space<vmem>>, vector<16xf32>,
      %mul3A_963 = arith.mulf %get3A_959, %get3A_962 : vector<16xf32>
      %add3A_964 = arith.addf %mul3A_956, %mul3A_963 : vector<16xf32>
      %get3A_965 = arith.index_cast %add3A_949 : i32 to index
      %get3A_966 = arith.constant 32 : index
      %get3A_967 = tpu.vector_load %arg11[%get3A_965, %get3A_966] {strides = array<i32>} : memref<512x64xf32, #tpu.memory_space<vmem>>, vector<16xf32>,
      %get3A_968 = arith.index_cast %add3A_949 : i32 to index
      %get3A_969 = arith.constant 32 : index
      %get3A_970 = tpu.vector_load %arg12[%get3A_968, %get3A_969] {strides = array<i32>} : memref<512x64xf32, #tpu.memory_space<vmem>>, vector<16xf32>,
      %mul3A_971 = arith.mulf %get3A_967, %get3A_970 : vector<16xf32>
      %add3A_972 = arith.addf %add3A_964, %mul3A_971 : vector<16xf32>
      %get3A_973 = arith.index_cast %add3A_949 : i32 to index
      %get3A_974 = arith.constant 48 : index
      %get3A_975 = tpu.vector_load %arg11[%get3A_973, %get3A_974] {strides = array<i32>} : memref<512x64xf32, #tpu.memory_space<vmem>>, vector<16xf32>,
      %get3A_976 = arith.index_cast %add3A_949 : i32 to index
      %get3A_977 = arith.constant 48 : index
      %get3A_978 = tpu.vector_load %arg12[%get3A_976, %get3A_977] {strides = array<i32>} : memref<512x64xf32, #tpu.memory_space<vmem>>, vector<16xf32>,
      %mul3A_979 = arith.mulf %get3A_975, %get3A_978 : vector<16xf32>
      %add3A_980 = arith.addf %add3A_972, %mul3A_979 : vector<16xf32>
      %add3A_981 = vector.broadcast %add3A_949 : i32 to vector<16xi32>
      %add3A_982 = arith.addi %mul3A_897, %add3A_981 : vector<16xi32>
      tpu.vector_store_idx %arg15[%add3A_982], %add3A_980 : memref<8192xf32, #tpu.memory_space<vmem>>[vector<16xi32>], vector<16xf32>,
      %mul3A_983 = arith.constant 4 : i32
      %mul3A_984 = arith.muli %scan3A_909, %mul3A_983 : i32
      %add3A_985 = arith.constant 2 : i32
      %add3A_986 = arith.addi %mul3A_984, %add3A_985 : i32
      %get3A_987 = arith.index_cast %add3A_986 : i32 to index
      %get3A_988 = arith.constant 0 : index
      %get3A_989 = tpu.vector_load %arg11[%get3A_987, %get3A_988] {strides = array<i32>} : memref<512x64xf32, #tpu.memory_space<vmem>>, vector<16xf32>,
      %get3A_990 = arith.index_cast %add3A_986 : i32 to index
      %get3A_991 = arith.constant 0 : index
      %get3A_992 = tpu.vector_load %arg12[%get3A_990, %get3A_991] {strides = array<i32>} : memref<512x64xf32, #tpu.memory_space<vmem>>, vector<16xf32>,
      %mul3A_993 = arith.mulf %get3A_989, %get3A_992 : vector<16xf32>
      %get3A_994 = arith.index_cast %add3A_986 : i32 to index
      %get3A_995 = arith.constant 16 : index
      %get3A_996 = tpu.vector_load %arg11[%get3A_994, %get3A_995] {strides = array<i32>} : memref<512x64xf32, #tpu.memory_space<vmem>>, vector<16xf32>,
      %get3A_997 = arith.index_cast %add3A_986 : i32 to index
      %get3A_998 = arith.constant 16 : index
      %get3A_999 = tpu.vector_load %arg12[%get3A_997, %get3A_998] {strides = array<i32>} : memref<512x64xf32, #tpu.memory_space<vmem>>, vector<16xf32>,
      %mul3A_1000 = arith.mulf %get3A_996, %get3A_999 : vector<16xf32>
      %add3A_1001 = arith.addf %mul3A_993, %mul3A_1000 : vector<16xf32>
      %get3A_1002 = arith.index_cast %add3A_986 : i32 to index
      %get3A_1003 = arith.constant 32 : index
      %get3A_1004 = tpu.vector_load %arg11[%get3A_1002, %get3A_1003] {strides = array<i32>} : memref<512x64xf32, #tpu.memory_space<vmem>>, vector<16xf32>,
      %get3A_1005 = arith.index_cast %add3A_986 : i32 to index
      %get3A_1006 = arith.constant 32 : index
      %get3A_1007 = tpu.vector_load %arg12[%get3A_1005, %get3A_1006] {strides = array<i32>} : memref<512x64xf32, #tpu.memory_space<vmem>>, vector<16xf32>,
      %mul3A_1008 = arith.mulf %get3A_1004, %get3A_1007 : vector<16xf32>
      %add3A_1009 = arith.addf %add3A_1001, %mul3A_1008 : vector<16xf32>
      %get3A_1010 = arith.index_cast %add3A_986 : i32 to index
      %get3A_1011 = arith.constant 48 : index
      %get3A_1012 = tpu.vector_load %arg11[%get3A_1010, %get3A_1011] {strides = array<i32>} : memref<512x64xf32, #tpu.memory_space<vmem>>, vector<16xf32>,
      %get3A_1013 = arith.index_cast %add3A_986 : i32 to index
      %get3A_1014 = arith.constant 48 : index
      %get3A_1015 = tpu.vector_load %arg12[%get3A_1013, %get3A_1014] {strides = array<i32>} : memref<512x64xf32, #tpu.memory_space<vmem>>, vector<16xf32>,
      %mul3A_1016 = arith.mulf %get3A_1012, %get3A_1015 : vector<16xf32>
      %add3A_1017 = arith.addf %add3A_1009, %mul3A_1016 : vector<16xf32>
      %add3A_1018 = vector.broadcast %add3A_986 : i32 to vector<16xi32>
      %add3A_1019 = arith.addi %mul3A_897, %add3A_1018 : vector<16xi32>
      tpu.vector_store_idx %arg15[%add3A_1019], %add3A_1017 : memref<8192xf32, #tpu.memory_space<vmem>>[vector<16xi32>], vector<16xf32>,
      %mul3A_1020 = arith.constant 4 : i32
      %mul3A_1021 = arith.muli %scan3A_909, %mul3A_1020 : i32
      %add3A_1022 = arith.constant 3 : i32
      %add3A_1023 = arith.addi %mul3A_1021, %add3A_1022 : i32
      %get3A_1024 = arith.index_cast %add3A_1023 : i32 to index
      %get3A_1025 = arith.constant 0 : index
      %get3A_1026 = tpu.vector_load %arg11[%get3A_1024, %get3A_1025] {strides = array<i32>} : memref<512x64xf32, #tpu.memory_space<vmem>>, vector<16xf32>,
      %get3A_1027 = arith.index_cast %add3A_1023 : i32 to index
      %get3A_1028 = arith.constant 0 : index
      %get3A_1029 = tpu.vector_load %arg12[%get3A_1027, %get3A_1028] {strides = array<i32>} : memref<512x64xf32, #tpu.memory_space<vmem>>, vector<16xf32>,
      %mul3A_1030 = arith.mulf %get3A_1026, %get3A_1029 : vector<16xf32>
      %get3A_1031 = arith.index_cast %add3A_1023 : i32 to index
      %get3A_1032 = arith.constant 16 : index
      %get3A_1033 = tpu.vector_load %arg11[%get3A_1031, %get3A_1032] {strides = array<i32>} : memref<512x64xf32, #tpu.memory_space<vmem>>, vector<16xf32>,
      %get3A_1034 = arith.index_cast %add3A_1023 : i32 to index
      %get3A_1035 = arith.constant 16 : index
      %get3A_1036 = tpu.vector_load %arg12[%get3A_1034, %get3A_1035] {strides = array<i32>} : memref<512x64xf32, #tpu.memory_space<vmem>>, vector<16xf32>,
      %mul3A_1037 = arith.mulf %get3A_1033, %get3A_1036 : vector<16xf32>
      %add3A_1038 = arith.addf %mul3A_1030, %mul3A_1037 : vector<16xf32>
      %get3A_1039 = arith.index_cast %add3A_1023 : i32 to index
      %get3A_1040 = arith.constant 32 : index
      %get3A_1041 = tpu.vector_load %arg11[%get3A_1039, %get3A_1040] {strides = array<i32>} : memref<512x64xf32, #tpu.memory_space<vmem>>, vector<16xf32>,
      %get3A_1042 = arith.index_cast %add3A_1023 : i32 to index
      %get3A_1043 = arith.constant 32 : index
      %get3A_1044 = tpu.vector_load %arg12[%get3A_1042, %get3A_1043] {strides = array<i32>} : memref<512x64xf32, #tpu.memory_space<vmem>>, vector<16xf32>,
      %mul3A_1045 = arith.mulf %get3A_1041, %get3A_1044 : vector<16xf32>
      %add3A_1046 = arith.addf %add3A_1038, %mul3A_1045 : vector<16xf32>
      %get3A_1047 = arith.index_cast %add3A_1023 : i32 to index
      %get3A_1048 = arith.constant 48 : index
      %get3A_1049 = tpu.vector_load %arg11[%get3A_1047, %get3A_1048] {strides = array<i32>} : memref<512x64xf32, #tpu.memory_space<vmem>>, vector<16xf32>,
      %get3A_1050 = arith.index_cast %add3A_1023 : i32 to index
      %get3A_1051 = arith.constant 48 : index
      %get3A_1052 = tpu.vector_load %arg12[%get3A_1050, %get3A_1051] {strides = array<i32>} : memref<512x64xf32, #tpu.memory_space<vmem>>, vector<16xf32>,
      %mul3A_1053 = arith.mulf %get3A_1049, %get3A_1052 : vector<16xf32>
      %add3A_1054 = arith.addf %add3A_1046, %mul3A_1053 : vector<16xf32>
      %add3A_1055 = vector.broadcast %add3A_1023 : i32 to vector<16xi32>
      %add3A_1056 = arith.addi %mul3A_897, %add3A_1055 : vector<16xi32>
      tpu.vector_store_idx %arg15[%add3A_1056], %add3A_1054 : memref<8192xf32, #tpu.memory_space<vmem>>[vector<16xi32>], vector<16xf32>,
    }
    %scan3A_902 = arith.constant 128 : i32
    %scan3A_903 = arith.constant 0 : i32
    %scan3A_904 = arith.constant 0 : i32
    %scan3A_905 = arith.constant 32 : i32
    %scan3A_906 = arith.addi %scan3A_904, %scan3A_905 : i32
    %scan3A_907 = arith.constant 1 : i32
    scf.for %scan3A_909 = %scan3A_904 to %scan3A_906 step %scan3A_907  : i32 {
      %mul3A_910 = arith.constant 16 : i32
      %mul3A_911 = arith.muli %scan3A_909, %mul3A_910 : i32
      %multiple_of3A = tpu.assume_multiple %mul3A_911, 16 : i32
      %get3A = arith.index_cast %multiple_of3A : i32 to index
      %get3A_912 = tpu.vector_load %arg13[%get3A] {strides = array<i32>} : memref<512xf32, #tpu.memory_space<vmem>>, vector<16xf32>,
      %get3A_913 = arith.index_cast %multiple_of3A : i32 to index
      %get3A_914 = tpu.vector_load %arg14[%get3A_913] {strides = array<i32>} : memref<512xf32, #tpu.memory_space<vmem>>, vector<16xf32>,
      %add3A_915 = arith.addf %get3A_912, %get3A_914 : vector<16xf32>
      %add3A_916 = arith.constant 3.200000e+00 : f32
      %add3A_917 = vector.broadcast %add3A_916 : f32 to vector<16xf32>
      %add3A_918 = arith.addf %add3A_915, %add3A_917 : vector<16xf32>
      %broadcast_in_dim3A = arith.constant 0.000000e+00 : f32
      %broadcast_in_dim3A_919 = vector.broadcast %broadcast_in_dim3A : f32 to vector<16xf32>
      %broadcast_in_dim3A_920 = arith.constant 0.000000e+00 : f32
      %broadcast_in_dim3A_921 = vector.broadcast %broadcast_in_dim3A_920 : f32 to vector<16xf32>
      %broadcast_in_dim3A_922 = arith.constant 0.000000e+00 : f32
      %broadcast_in_dim3A_923 = vector.broadcast %broadcast_in_dim3A_922 : f32 to vector<16xf32>
      %add3A_924 = arith.constant 0 : i32
      %add3A_925 = arith.addi %multiple_of3A, %add3A_924 : i32
      %get3A_926 = arith.index_cast %add3A_925 : i32 to index
      %get3A_927 = tpu.vector_load %arg15[%get3A_926] {strides = array<i32>} : memref<8192xf32, #tpu.memory_space<vmem>>, vector<16xf32>,
      %add3A_928 = arith.addf %add3A_918, %get3A_927 : vector<16xf32>
      %add3A_929 = arith.constant 512 : i32
      %add3A_930 = arith.addi %multiple_of3A, %add3A_929 : i32
      %get3A_931 = arith.index_cast %add3A_930 : i32 to index
      %get3A_932 = tpu.vector_load %arg15[%get3A_931] {strides = array<i32>} : memref<8192xf32, #tpu.memory_space<vmem>>, vector<16xf32>,
      %add3A_933 = arith.addf %broadcast_in_dim3A_919, %get3A_932 : vector<16xf32>
      %add3A_934 = arith.constant 1024 : i32
      %add3A_935 = arith.addi %multiple_of3A, %add3A_934 : i32
      %get3A_936 = arith.index_cast %add3A_935 : i32 to index
      %get3A_937 = tpu.vector_load %arg15[%get3A_936] {strides = array<i32>} : memref<8192xf32, #tpu.memory_space<vmem>>, vector<16xf32>,
      %add3A_938 = arith.addf %broadcast_in_dim3A_921, %get3A_937 : vector<16xf32>
      %add3A_939 = arith.constant 1536 : i32
      %add3A_940 = arith.addi %multiple_of3A, %add3A_939 : i32
      %get3A_941 = arith.index_cast %add3A_940 : i32 to index
      %get3A_942 = tpu.vector_load %arg15[%get3A_941] {strides = array<i32>} : memref<8192xf32, #tpu.memory_space<vmem>>, vector<16xf32>,
      %add3A_943 = arith.addf %broadcast_in_dim3A_923, %get3A_942 : vector<16xf32>
      %add3A_944 = arith.constant 2048 : i32
      %add3A_945 = arith.addi %multiple_of3A, %add3A_944 : i32
      %get3A_946 = arith.index_cast %add3A_945 : i32 to index
      %get3A_947 = tpu.vector_load %arg15[%get3A_946] {strides = array<i32>} : memref<8192xf32, #tpu.memory_space<vmem>>, vector<16xf32>,
      %add3A_948 = arith.addf %add3A_928, %get3A_947 : vector<16xf32>
      %add3A_949 = arith.constant 2560 : i32
      %add3A_950 = arith.addi %multiple_of3A, %add3A_949 : i32
      %get3A_951 = arith.index_cast %add3A_950 : i32 to index
      %get3A_952 = tpu.vector_load %arg15[%get3A_951] {strides = array<i32>} : memref<8192xf32, #tpu.memory_space<vmem>>, vector<16xf32>,
      %add3A_953 = arith.addf %add3A_933, %get3A_952 : vector<16xf32>
      %add3A_954 = arith.constant 3072 : i32
      %add3A_955 = arith.addi %multiple_of3A, %add3A_954 : i32
      %get3A_956 = arith.index_cast %add3A_955 : i32 to index
      %get3A_957 = tpu.vector_load %arg15[%get3A_956] {strides = array<i32>} : memref<8192xf32, #tpu.memory_space<vmem>>, vector<16xf32>,
      %add3A_958 = arith.addf %add3A_938, %get3A_957 : vector<16xf32>
      %add3A_959 = arith.constant 3584 : i32
      %add3A_960 = arith.addi %multiple_of3A, %add3A_959 : i32
      %get3A_961 = arith.index_cast %add3A_960 : i32 to index
      %get3A_962 = tpu.vector_load %arg15[%get3A_961] {strides = array<i32>} : memref<8192xf32, #tpu.memory_space<vmem>>, vector<16xf32>,
      %add3A_963 = arith.addf %add3A_943, %get3A_962 : vector<16xf32>
      %add3A_964 = arith.constant 4096 : i32
      %add3A_965 = arith.addi %multiple_of3A, %add3A_964 : i32
      %get3A_966 = arith.index_cast %add3A_965 : i32 to index
      %get3A_967 = tpu.vector_load %arg15[%get3A_966] {strides = array<i32>} : memref<8192xf32, #tpu.memory_space<vmem>>, vector<16xf32>,
      %add3A_968 = arith.addf %add3A_948, %get3A_967 : vector<16xf32>
      %add3A_969 = arith.constant 4608 : i32
      %add3A_970 = arith.addi %multiple_of3A, %add3A_969 : i32
      %get3A_971 = arith.index_cast %add3A_970 : i32 to index
      %get3A_972 = tpu.vector_load %arg15[%get3A_971] {strides = array<i32>} : memref<8192xf32, #tpu.memory_space<vmem>>, vector<16xf32>,
      %add3A_973 = arith.addf %add3A_953, %get3A_972 : vector<16xf32>
      %add3A_974 = arith.constant 5120 : i32
      %add3A_975 = arith.addi %multiple_of3A, %add3A_974 : i32
      %get3A_976 = arith.index_cast %add3A_975 : i32 to index
      %get3A_977 = tpu.vector_load %arg15[%get3A_976] {strides = array<i32>} : memref<8192xf32, #tpu.memory_space<vmem>>, vector<16xf32>,
      %add3A_978 = arith.addf %add3A_958, %get3A_977 : vector<16xf32>
      %add3A_979 = arith.constant 5632 : i32
      %add3A_980 = arith.addi %multiple_of3A, %add3A_979 : i32
      %get3A_981 = arith.index_cast %add3A_980 : i32 to index
      %get3A_982 = tpu.vector_load %arg15[%get3A_981] {strides = array<i32>} : memref<8192xf32, #tpu.memory_space<vmem>>, vector<16xf32>,
      %add3A_983 = arith.addf %add3A_963, %get3A_982 : vector<16xf32>
      %add3A_984 = arith.constant 6144 : i32
      %add3A_985 = arith.addi %multiple_of3A, %add3A_984 : i32
      %get3A_986 = arith.index_cast %add3A_985 : i32 to index
      %get3A_987 = tpu.vector_load %arg15[%get3A_986] {strides = array<i32>} : memref<8192xf32, #tpu.memory_space<vmem>>, vector<16xf32>,
      %add3A_988 = arith.addf %add3A_968, %get3A_987 : vector<16xf32>
      %add3A_989 = arith.constant 6656 : i32
      %add3A_990 = arith.addi %multiple_of3A, %add3A_989 : i32
      %get3A_991 = arith.index_cast %add3A_990 : i32 to index
      %get3A_992 = tpu.vector_load %arg15[%get3A_991] {strides = array<i32>} : memref<8192xf32, #tpu.memory_space<vmem>>, vector<16xf32>,
      %add3A_993 = arith.addf %add3A_973, %get3A_992 : vector<16xf32>
      %add3A_994 = arith.constant 7168 : i32
      %add3A_995 = arith.addi %multiple_of3A, %add3A_994 : i32
      %get3A_996 = arith.index_cast %add3A_995 : i32 to index
      %get3A_997 = tpu.vector_load %arg15[%get3A_996] {strides = array<i32>} : memref<8192xf32, #tpu.memory_space<vmem>>, vector<16xf32>,
      %add3A_998 = arith.addf %add3A_978, %get3A_997 : vector<16xf32>
      %add3A_999 = arith.constant 7680 : i32
      %add3A_1000 = arith.addi %multiple_of3A, %add3A_999 : i32
      %get3A_1001 = arith.index_cast %add3A_1000 : i32 to index
      %get3A_1002 = tpu.vector_load %arg15[%get3A_1001] {strides = array<i32>} : memref<8192xf32, #tpu.memory_space<vmem>>, vector<16xf32>,
      %add3A_1003 = arith.addf %add3A_983, %get3A_1002 : vector<16xf32>
      %add3A_1004 = arith.addf %add3A_988, %add3A_993 : vector<16xf32>
      %add3A_1005 = arith.addf %add3A_998, %add3A_1003 : vector<16xf32>
      %add3A_1006 = arith.addf %add3A_1004, %add3A_1005 : vector<16xf32>
      %swap3A_1007 = arith.index_cast %multiple_of3A : i32 to index
      %swap3A_1008 = tpu.vector_load %arg16[%swap3A_1007] {strides = array<i32>} : memref<512xf32, #tpu.memory_space<vmem>>, vector<16xf32>,
      tpu.vector_store %arg16[%swap3A_1007], %add3A_1006 {strides = array<i32>} : memref<512xf32, #tpu.memory_space<vmem>>, vector<16xf32>,
    }
    %scan3A_908 = arith.constant 32 : i32
    "tpu.region"() ({
      %run_scoped3A = tpu.sem_alloc : memref<!tpu.dma_semaphore, #tpu.memory_space<semaphore_mem>>
      %dma_start3A_909 = tpu.memref_slice %arg7[%mul3A_2] : memref<16384xf32, #tpu.memory_space<hbm>> -> memref<512xf32, #tpu.memory_space<hbm>>
      %dma_start3A_910 = tpu.memref_slice %arg7[%mul3A_2] : memref<16384xf32, #tpu.memory_space<hbm>> -> memref<512xf32, #tpu.memory_space<hbm>>
      tpu.enqueue_dma source(%arg16 : memref<512xf32, #tpu.memory_space<vmem>>) target(%dma_start3A_910 : memref<512xf32, #tpu.memory_space<hbm>>) target_semaphore(%run_scoped3A : memref<!tpu.dma_semaphore, #tpu.memory_space<semaphore_mem>>)
      %dma_wait3A_911 = tpu.memref_slice %arg7[%mul3A_2] : memref<16384xf32, #tpu.memory_space<hbm>> -> memref<512xf32, #tpu.memory_space<hbm>>
      %dma_wait3A_912 = tpu.memref_slice %arg7[%mul3A_2] : memref<16384xf32, #tpu.memory_space<hbm>> -> memref<512xf32, #tpu.memory_space<hbm>>
      tpu.wait_dma2 semaphore(%run_scoped3A : memref<!tpu.dma_semaphore, #tpu.memory_space<semaphore_mem>>) src(%arg16 : memref<512xf32, #tpu.memory_space<vmem>>) dst(%dma_wait3A_912 : memref<512xf32, #tpu.memory_space<hbm>>)
      tpu.yield
    }) : () -> ()
    return
  }
}

</mosaic_0001>

<sc_bundles>
// kernel: _autorec.3.cloned.1.call-start
scs
__scs_entry_jumppad:
0x0: {  	(pc) =	sbr.rel $0x88, $3  }
0x1: {  	(tag) =	ssettag $0x0;
	lr =	simm.s32 $0x1  }
0x2: {  	[smem:$0x3F9C] =	sst lr;
	_ =	strace $0xD0000000  }
0x3: {  	_ = 	snop  }
0x4: {  	_ = 	snop  }
0x5: {  	_ = 	snop  }
0x6: {  	_ = 	snop  }
0x7: {  	_ = 	snop  }
__scs_overlays_trampoline_lowered:
0x8: {  	[smem:$0x3FAB] =	sst s0  }
0x9: {  	[smem:$0x3FAC] =	sst s1  }
0xa: {  	[smem:$0x3FAD] =	sst s2  }
0xb: {  	[smem:$0x3FAE] =	sst s3  }
0xc: {  	[smem:$0x3FAF] =	sst s4  }
0xd: {  	[smem:$0x3FB0] =	sst s5  }
0xe: {  	[smem:$0x3FB1] =	sst s6  }
0xf: {  	[smem:$0x3FB2] =	sst s7  }
0x10: {  	[smem:$0x3FB3] =	sst s8  }
0x11: {  	[smem:$0x3FB4] =	sst s9;
	s0 =	simm.s32 @!p0 $0x0  }
0x12: {  	s1 =	sld [smem:$0x3F9A];
	s0 =	simm.s32 @p0 $0x1  }
0x13: {  	[smem:$0x3FB5] =	sst s0;
	s0 =	simm.s32 @!p1 $0x0  }
0x14: {  	s2 =	sld [smem:$0x3F99];
	s0 =	simm.s32 @p1 $0x1  }
0x15: {  	[smem:$0x3FB6] =	sst s0;
	s0 =	simm.s32 @!p2 $0x0  }
0x16: {  	s3 =	sld [smem:$0x3FDB];
	s0 =	simm.s32 @p2 $0x1  }
0x17: {  	s4 =	simm.s32 $0x1BF5;
	[smem:$0x3FB8] =	sst s0  }
0x18: {  	s0 =	sld [smem:$0x3F9B];
	_ =	swait.ge [sflag:s4], $0x0  }
0x19: {  	s7 =	sld [smem:$0x3F9C]  }
0x1a: {  	s8 =	sadd.s32 $0xFFFFE003, lr  }
0x1b: {  	s9 =	sadd.s32 $0xFFFFFEF7, lr;
	s5 =	simm.s32 $0xFFFFFFFF;
	p2 =	slt.u32 s8, $0xFFFFF086  }
0x1c: {  	p1 =	slt.u32 s9, $0xF7A;
	s5 =	simm.s32 @!p2 $0x0  }
0x1d: {  	s5 =	simm.s32 @p1 $0x1;
	p0 =	seq.s32 s7, s2  }
0x1e: {  	s7 =	smul.u32 @!p0 $0xF7A, s2;
	p2 =	seq.s32 @!p0 s5, $0x0  }
0x1f: {  	s9 =	smul.u32 $0xF7A, s1;
	s8 =	simm.s32 @!p0 $0x1BF5;
	p2 =	por !p2, p0  }
0x20: {  	[sflag:s8] =	ssyncset.s32 @!p0 $0xFFFFF086;
	s6 =	sadd.s32 @!p0 s3, s7;
	s7 =	simm.s32 @!p0 $0x108  }
0x21: {  	s3 =	sadd.s32 s3, s9;
	s6 =	sadd.s32 @!p0 $0x88, s6;
	s7 =	simm.s32 @p2 $0x1082  }
0x22: {  	[simem:s7], [sflag:s8] =	dma.local @!p0 [hbm:s6], $0xF7A  }
0x23: {  	s9 =	sor.u32 $0xD0000000, s2;
	s6 =	simm.s32 $0x108;
	_ =	swait.ge @!p0 [sflag:s8], $0x0  }
0x24: {  	s3 =	sadd.s32 $0x88, s3;
	s6 =	simm.s32 @!p1 $0x1082;
	[sflag:s4] =	ssyncset.s32 $0xFFFFF086  }
0x25: {  	[simem:s6], [sflag:s4] =	dma.local [hbm:s3], $0xF7A  }
0x26: {  	[smem:$0x3F9C] =	sst s1;
	(tag) =	ssettag s2;
	_ =	strace s9  }
0x27: {  	s1 =	sld [smem:$0x3FAC]  }
0x28: {  	s2 =	sld [smem:$0x3FAD]  }
0x29: {  	s4 =	sld [smem:$0x3FAF]  }
0x2a: {  	p0 =	seq.s32 s5, $0x0;
	s5 =	sld [smem:$0x3FB0]  }
0x2b: {  	s6 =	sld [smem:$0x3FB1]  }
0x2c: {  	s7 =	sld [smem:$0x3FB2]  }
0x2d: {  	s3 =	simm.s32 $0x108;
	s8 =	sld [smem:$0x3FB3]  }
0x2e: {  	s3 =	simm.s32 @!p0 $0x1082;
	s9 =	sld [smem:$0x3FB4]  }
0x2f: {  	lr =	sadd.s32 s0, s3;
	s0 =	sld [smem:$0x3FAB]  }
0x30: {  	s3 =	sld [smem:$0x3FAE]  }
0x31: {  	[smem:$0x3FB7] =	sst s10  }
0x32: {  	s10 =	sld [smem:$0x3FB5];
	_ =	sdelay $0x3  }
0x33: {  	p0 =	seq.s32 s10, $0x1;
	s10 =	sld [smem:$0x3FB7];
	_ =	sdelay $0x3  }
0x34: {  	[smem:$0x3FB7] =	sst s10  }
0x35: {  	s10 =	sld [smem:$0x3FB6];
	_ =	sdelay $0x3  }
0x36: {  	p1 =	seq.s32 s10, $0x1;
	s10 =	sld [smem:$0x3FB7];
	_ =	sdelay $0x3  }
0x37: {  	[smem:$0x3FB7] =	sst s10  }
0x38: {  	s10 =	sld [smem:$0x3FB8]  }
0x39: {  	_ = 	snop;
	(pc) =	sbr.ind lr, $3  }
0x3a: {  	_ = 	snop  }
0x3b: {  	_ = 	snop  }
0x3c: {  	p2 =	seq.s32 s10, $0x1;
	s10 =	sld [smem:$0x3FB7]  }
0x3d: {  	_ =	shalt  }
0x3e: {  	_ =	shalt  }
0x3f: {  	_ =	shalt  }
0x40: {  	_ =	shalt  }
0x41: {  	_ =	shalt  }
0x42: {  	_ =	shalt  }
0x43: {  	_ =	shalt  }
0x44: {  	_ =	shalt  }
0x45: {  	_ =	shalt  }
0x46: {  	_ =	shalt  }
0x47: {  	_ =	shalt  }
0x48: {  	_ =	shalt  }
0x49: {  	_ =	shalt  }
0x4a: {  	_ =	shalt  }
0x4b: {  	_ =	shalt  }
0x4c: {  	_ =	shalt  }
0x4d: {  	_ =	shalt  }
0x4e: {  	_ =	shalt  }
0x4f: {  	_ =	shalt  }
0x50: {  	_ =	shalt  }
0x51: {  	_ =	shalt  }
0x52: {  	_ =	shalt  }
0x53: {  	_ =	shalt  }
0x54: {  	_ =	shalt  }
0x55: {  	_ =	shalt  }
0x56: {  	_ =	shalt  }
0x57: {  	_ =	shalt  }
0x58: {  	_ =	shalt  }
0x59: {  	_ =	shalt  }
0x5a: {  	_ =	shalt  }
0x5b: {  	_ =	shalt  }
0x5c: {  	_ =	shalt  }
0x5d: {  	_ =	shalt  }
0x5e: {  	_ =	shalt  }
0x5f: {  	_ =	shalt  }
0x60: {  	_ =	shalt  }
0x61: {  	_ =	shalt  }
0x62: {  	_ =	shalt  }
0x63: {  	_ =	shalt  }
0x64: {  	_ =	shalt  }
0x65: {  	_ =	shalt  }
0x66: {  	_ =	shalt  }
0x67: {  	_ =	shalt  }
0x68: {  	_ =	shalt  }
0x69: {  	_ =	shalt  }
0x6a: {  	_ =	shalt  }
0x6b: {  	_ =	shalt  }
0x6c: {  	_ =	shalt  }
0x6d: {  	_ =	shalt  }
0x6e: {  	_ =	shalt  }
0x6f: {  	_ =	shalt  }
0x70: {  	_ =	shalt  }
0x71: {  	_ =	shalt  }
0x72: {  	_ =	shalt  }
0x73: {  	_ =	shalt  }
0x74: {  	_ =	shalt  }
0x75: {  	_ =	shalt  }
0x76: {  	_ =	shalt  }
0x77: {  	_ =	shalt  }
0x78: {  	_ =	shalt  }
0x79: {  	_ =	shalt  }
0x7a: {  	_ =	shalt  }
0x7b: {  	_ =	shalt  }
0x7c: {  	_ =	shalt  }
0x7d: {  	_ =	shalt  }
0x7e: {  	_ =	shalt  }
0x7f: {  	_ =	shalt  }
0x80: {  	_ =	shalt  }
0x81: {  	_ =	shalt  }
0x82: {  	_ =	shalt  }
0x83: {  	_ =	shalt  }
0x84: {  	_ =	shalt  }
0x85: {  	_ =	shalt  }
0x86: {  	_ =	shalt  }
0x87: {  	_ =	shalt  }
.Lfunc_end0:
.L_simem_size_0:
called_computation_lowered:
.L_overlay_start_0:
0x88: {  	s2 =	sld [smem:$0x3FD9]  }
0x89: {  	s3 =	sld [smem:$0x3FFE];
	_ =	sdelay $0x1  }
0x8a: {  	s1 =	srdreg.scid  }
0x8b: {  	s0 =	sand.u32 $0x1, s1  }
0x8c: {  	s17 =	sshll.u32 s0, $0xA;
	s2 =	sadd.s32 s3, s2  }
0x8d: {  	s2 =	sadd.s32 s2, s17  }
0x8e: {  	[smem:$0x3FC3] =	sst s2  }
0x8f: {  	_ = 	snop  }
0x90: {  	s2 =	sld [smem:$0x3FC6]  }
0x91: {  	s18 =	sld [smem:$0x3FC5]  }
0x92: {  	s4 =	sld [smem:$0x3FD0];
	(tm) =	ssettm $0x1  }
0x93: {  	s5 =	sld [smem:$0x3FFB];
	_ =	sdelay $0x3  }
0x94: {  	_ =	strace s5  }
0x95: {  	s5 =	sld [smem:$0x3FFC];
	_ =	sdelay $0x3  }
0x96: {  	_ =	strace s5  }
0x97: {  	s5 =	sld [smem:$0x3FFD];
	_ =	sdelay $0x3  }
0x98: {  	_ =	strace s5  }
0x99: {  	_ =	strace $0x8FFFFFFF  }
0x9a: {  	s19 =	sld [smem:$0x3FDB];
	_ =	sdelay $0x1  }
0x9b: {  	s6 =	simm.s32 $_scs_section_size  }
0x9c: {  	s7 =	simm.s32 $_size__tile_overlayer_lowered;
	s8 =	simm.s32 $_tile_overlayer_lowered  }
0x9d: {  	s22 =	simm.s32 $0x1BFF;
	s21 =	sshll.u32 s8, $0x1;
	s5 =	sadd.s32 s6, s19  }
0x9e: {  	s9 =	simm.s32 $0x0;
	s20 =	sshll.u32 s7, $0x1;
	s7 =	sadd.s32 s21, s5  }
0x9f: {  	[timem:s9], [sflag:s22] =	dma.local [hbm:s7], s20  }
0xa0: {  	_ =	swait.ge [sflag:s22], s20  }
0xa1: {  	s6 =	ssub.s32 $0x0, s20;
	[sflag:s22] =	ssyncset.done $0x0  }
0xa2: {  	[sflag:s22] =	ssyncadd.s32 s6;
	_ =	sdelay $0x1  }
0xa3: {  	s23 =	simm.s32 $0x1B8B  }
0xa4: {  	_ =	swait.ge [sflag:s23], $0x1  }
0xa5: {  	[sflag:s23] =	ssyncset.done $0x0  }
0xa6: {  	s25 =	simm.s32 $0x1B8E;
	s24 =	sld [smem:$0x3FFE];
	[sflag:s23] =	ssyncadd.s32 $0xFFFFFFFF  }
0xa7: {  	s26 =	simm.s32 $execute0_lowered;
	[smem:$0x3FD2] =	sst s25  }
0xa8: {  	s7 =	sshll.u32 s26, $0x1;
	_ =	strace $0x80000046;
	[dreg:$0x1] =	wrdreg $0xFFFFFFFF  }
0xa9: {  	s28 =	simm.s32 $_size_execute0_lowered;
	s5 =	sadd.s32 s5, s7;
	[dreg:$0x0] =	wrdreg $0x0  }
0xaa: {  	s7 =	sshll.u32 s28, $0x1;
	[dreg:$0x2] =	wrdreg s5  }
0xab: {  	[dreg:$0x3] =	wrdreg s7  }
0xac: {  	[dreg:$0x4] =	wrdreg $0xC0  }
0xad: {  	_ =	task [dreg:s9], $0x5FFFF  }
0xae: {  	[dreg:$0x1] =	wrdreg $0xFFFFFFFF  }
0xaf: {  	[dreg:$0x0] =	wrdreg $0x60  }
0xb0: {  	[dreg:$0x2] =	wrdreg s24  }
0xb1: {  	[dreg:$0x3] =	wrdreg s2  }
0xb2: {  	[dreg:$0x4] =	wrdreg s18  }
0xb3: {  	[dreg:$0x5] =	wrdreg s4  }
0xb4: {  	[dreg:$0x6] =	wrdreg $0x9  }
0xb5: {  	_ =	task.clear_ibuf [dreg:s9], $0x7FFFF;
	_ =	strace $0x90000046  }
0xb6: {  	s29 =	simm.s32 $0x9;
	_ =	strace $0x80000048  }
0xb7: {  	_ =	swait.ge [sflag:s29], $0x1  }
0xb8: {  	[sflag:s29] =	ssyncadd.s32 $0xFFFFFFFF  }
0xb9: {  	_ =	strace $0x90000048  }
0xba: {  	_ =	sfence  }
0xbb: {  	s30 =	sld [smem:$0x0];
	_ =	sdelay $0x2  }
0xbc: {  	s31 =	sshll.u32 s1, $0xD;
	s1 =	sshrl.u32 s1, $0x2  }
0xbd: {  	s3 =	sand.u32 $0x4000, s31;
	s1 =	sadd.s32 s1, s30  }
0xbe: {  	s0 =	sor.u32 s3, s0;
	s1 =	sshll.u32 s1, $0x11  }
0xbf: {  	s0 =	sor.u32 s1, s0  }
0xc0: {  	s0 =	sadd.s32 $0x8F2B, s0  }
0xc1: {  	[sflag:s0] =	ssyncadd.remote.s32 $0x1  }
0xc2: {  	_ =	sfence.sel $0xFFFF  }
0xc3: {  	[dreg:$0x0] =	wrdreg $0xFFFFFFFF;
	(pc) =	sbr.abs _section_cstart, $3  }
0xc4: {  	[dreg:$0x1] =	wrdreg $0xFFFFFFFF  }
0xc5: {  	_ =	task.clear_ibuf [dreg:s9], $0x2FFFF;
	_ =	strace $0x9FFFFFFF  }
0xc6: {  	(tm) =	ssettm $0x7FFFFFFF  }
0xc7: {  	_ =	shalt  }
tec
execute0_lowered:
.L_overlay_start_1:
0x0: {  	(tag) =	ssettag $0x1  }
0x1: {  	v0 =	vlaneseq.u32  }
0x2: {  	v1 =	vmul.u32 $0x3, v0;
	_ =	sdelay $0x1  }
0x3: {  	v0 =	vadd.s32 $0x1, v1  }
0x4: {  	v17 =	vor.u32 $0x180, v1;
	v18 =	vadd.s32 $0x181, v1;
	v19 =	vadd.s32 $0x1B0, v1  }
0x5: {  	v20 =	vadd.s32 $0x1B1, v1;
	v21 =	vadd.s32 $0x1E0, v1;
	v22 =	vadd.s32 $0x1E1, v1  }
0x6: {  	v23 =	vadd.s32 $0x210, v1;
	v24 =	vadd.s32 $0x211, v1;
	v25 =	vor.u32 $0x240, v1  }
0x7: {  	v26 =	vadd.s32 $0x241, v1;
	v27 =	vadd.s32 $0x270, v1;
	v28 =	vadd.s32 $0x271, v1  }
0x8: {  	v29 =	vadd.s32 $0x2A0, v1;
	v30 =	vadd.s32 $0x2A1, v1;
	v31 =	vadd.s32 $0x2D0, v1  }
0x9: {  	v32 =	vadd.s32 $0x2D1, v1;
	v33 =	vor.u32 $0x300, v1;
	[tilespmem:$0x1FF10] =	vst v0;
	v0 =	vadd.s32 $0x30, v1  }
0xa: {  	s2 =	rddreg [dreg:$0x0];
	v34 =	vadd.s32 $0x301, v1;
	v35 =	vadd.s32 $0x330, v1;
	[tilespmem:$0x1FF20] =	vst v0;
	v0 =	vadd.s32 $0x31, v1  }
0xb: {  	s0 =	rddreg [dreg:$0x1];
	v36 =	vadd.s32 $0x331, v1;
	v37 =	vadd.s32 $0x360, v1;
	[tilespmem:$0x1FF30] =	vst v0;
	v0 =	vadd.s32 $0x60, v1  }
0xc: {  	s1 =	rddreg [dreg:$0x2];
	s12 =	simm.s32 $0x600;
	v38 =	vadd.s32 $0x361, v1;
	v39 =	vadd.s32 $0x390, v1;
	[tilespmem:$0x1FF40] =	vst v0;
	v0 =	vadd.s32 $0x61, v1  }
0xd: {  	s3 =	srdreg.scid;
	s14 =	simm.s32 $0x800;
	s18 =	simm.s32 $0x680;
	v40 =	vadd.s32 $0x391, v1;
	v41 =	vor.u32 $0x3C0, v1;
	[tilespmem:$0x1FF50] =	vst v0;
	v0 =	vadd.s32 $0x90, v1  }
0xe: {  	s4 =	stileid.u32;
	s20 =	simm.s32 $0x880;
	s24 =	simm.s32 $0x700;
	v42 =	vadd.s32 $0x3C1, v1;
	v43 =	vadd.s32 $0x3F0, v1;
	[tilespmem:$0x1FF60] =	vst v0;
	v0 =	vadd.s32 $0x91, v1  }
0xf: {  	s8 =	rddreg [dreg:$0x3];
	s26 =	simm.s32 $0x900;
	s31 =	simm.s32 $0x780;
	v44 =	vadd.s32 $0x3F1, v1;
	v45 =	vadd.s32 $0x420, v1;
	[tilespmem:$0x1FF70] =	vst v0;
	v0 =	vor.u32 $0xC0, v1  }
0x10: {  	s11 =	simm.s32 $0x80;
	s13 =	simm.s32 $0xEA00;
	s15 =	simm.s32 $0x10B80;
	v46 =	vadd.s32 $0x421, v1;
	v47 =	vadd.s32 $0x450, v1;
	[tilespmem:$0x1FF80] =	vst v0;
	v0 =	vadd.s32 $0xC1, v1  }
0x11: {  	s16 =	simm.s32 $0x10D80;
	s17 =	simm.s32 $0x1;
	s19 =	simm.s32 $0x10E00;
	v48 =	vadd.s32 $0x451, v1;
	v49 =	vor.u32 $0x480, v1;
	[tilespmem:$0x1FF90] =	vst v0;
	v0 =	vadd.s32 $0xF0, v1  }
0x12: {  	s21 =	simm.s32 $0x12E00;
	s22 =	simm.s32 $0x0;
	s3 =	sand.u32 $0x1, s3;
	v50 =	vadd.s32 $0x481, v1;
	v51 =	vadd.s32 $0x4B0, v1;
	[tilespmem:$0x1FFA0] =	vst v0;
	v0 =	vadd.s32 $0xF1, v1  }
0x13: {  	s5 =	sshll.u32 s4, $0x1;
	s4 =	simm.s32 $0x0;
	s6 =	sadd.s32 $0xF42A00, s2;
	v52 =	vadd.s32 $0x4B1, v1;
	v53 =	vadd.s32 $0x4E0, v1;
	[tilespmem:$0x1FFB0] =	vst v0;
	v0 =	vadd.s32 $0x120, v1  }
0x14: {  	s7 =	sor.u32 s3, s5;
	[smem:$0x7FF] =	sst s4;
	s3 =	ssub.s32 $0x2, s3;
	v54 =	vadd.s32 $0x4E1, v1;
	v55 =	vadd.s32 $0x510, v1;
	[tilespmem:$0x1FFC0] =	vst v0;
	v0 =	vadd.s32 $0x121, v1  }
0x15: {  	s5 =	smul.u32 $0xC0, s7;
	s10 =	sshrl.u32 s3, $0x1;
	s30 =	sshll.u32 s7, $0x6;
	v56 =	vadd.s32 $0x511, v1;
	v57 =	vor.u32 $0x540, v1;
	[tilespmem:$0x1FFD0] =	vst v0;
	v0 =	vadd.s32 $0x150, v1  }
0x16: {  	v58 =	vadd.s32 $0x541, v1;
	v59 =	vadd.s32 $0x570, v1;
	s29 =	ssub.s32 s3, s10;
	s8 =	sadd.s32 s8, s30;
	s10 =	simm.s32 $0x2;
	[tilespmem:$0x1FFE0] =	vst v0;
	v0 =	vadd.s32 $0x151, v1  }
0x17: {  	v60 =	vadd.s32 $0x571, v1;
	v61 =	vadd.s32 $0x5A0, v1;
	s9 =	sadd.s32 s5, s2;
	s5 =	sadd.s32 $0x16E3C00, s2;
	s2 =	simm.s32 $0x980;
	[tilespmem:$0x1FFF0] =	vst v0  }
0x18: {  	v62 =	vadd.s32 $0x5A1, v1;
	v63 =	vadd.s32 $0x5D0, v1;
	s7 =	sadd.s32 $0x600, s9;
	s9 =	smax.u32 s29, $0x1;
	v0 =	vadd.s32 $0x5D1, v1;
	_ =	strace $0x80000047  }
.LBB2_1:
0x19: {  	[tilespmem:s4], [sflag:$0x2] =	stream.linear.gather [hbm4b:s7+s4], $0x600, $0x38;
	[tilespmem:$0x13000] =	vst v63  }
0x1a: {  	_ =	swait.ge [sflag:s10], $0x600  }
0x1b: {  	v3 =	vld [tilespmem:$0x1FF10];
	_ =	sdelay $0x4  }
0x1c: {  	[sflag:s10] =	ssyncset.done $0x0  }
0x1d: {  	[sflag:s10] =	ssyncadd.s32 $0xFFFFFA00  }
0x1e: {  	v2 =	vld.idx.msk [tilespmem:v1+s4+$0x0], $0xffff  }
0x1f: {  	v3 =	vld.idx.msk [tilespmem:v3+s4+$0x0], $0xffff;
	_ =	sdelay $0x3  }
0x20: {  	[tilespmem:$0x600] =	vst v2;
	v2 =	vld [tilespmem:$0x1FF20]  }
0x21: {  	[tilespmem:$0x800] =	vst v3;
	v3 =	vld [tilespmem:$0x1FF30];
	_ =	sdelay $0x6  }
0x22: {  	v2 =	vld.idx.msk [tilespmem:v2+s4+$0x0], $0xffff  }
0x23: {  	v3 =	vld.idx.msk [tilespmem:v3+s4+$0x0], $0xffff;
	_ =	sdelay $0x3  }
0x24: {  	[tilespmem:$0x610] =	vst v2;
	v2 =	vld [tilespmem:$0x1FF40]  }
0x25: {  	[tilespmem:$0x810] =	vst v3;
	v3 =	vld [tilespmem:$0x1FF50];
	_ =	sdelay $0x6  }
0x26: {  	v2 =	vld.idx.msk [tilespmem:v2+s4+$0x0], $0xffff  }
0x27: {  	v3 =	vld.idx.msk [tilespmem:v3+s4+$0x0], $0xffff;
	_ =	sdelay $0x3  }
0x28: {  	[tilespmem:$0x620] =	vst v2;
	v2 =	vld [tilespmem:$0x1FF60]  }
0x29: {  	[tilespmem:$0x820] =	vst v3;
	v3 =	vld [tilespmem:$0x1FF70];
	_ =	sdelay $0x6  }
0x2a: {  	v2 =	vld.idx.msk [tilespmem:v2+s4+$0x0], $0xffff  }
0x2b: {  	v3 =	vld.idx.msk [tilespmem:v3+s4+$0x0], $0xffff;
	_ =	sdelay $0x3  }
0x2c: {  	[tilespmem:$0x630] =	vst v2;
	v2 =	vld [tilespmem:$0x1FF80]  }
0x2d: {  	[tilespmem:$0x830] =	vst v3;
	v3 =	vld [tilespmem:$0x1FF90];
	_ =	sdelay $0x6  }
0x2e: {  	v2 =	vld.idx.msk [tilespmem:v2+s4+$0x0], $0xffff  }
0x2f: {  	v3 =	vld.idx.msk [tilespmem:v3+s4+$0x0], $0xffff;
	_ =	sdelay $0x3  }
0x30: {  	[tilespmem:$0x640] =	vst v2;
	v2 =	vld [tilespmem:$0x1FFA0]  }
0x31: {  	[tilespmem:$0x840] =	vst v3;
	v3 =	vld [tilespmem:$0x1FFB0];
	_ =	sdelay $0x6  }
0x32: {  	v2 =	vld.idx.msk [tilespmem:v2+s4+$0x0], $0xffff  }
0x33: {  	v3 =	vld.idx.msk [tilespmem:v3+s4+$0x0], $0xffff;
	_ =	sdelay $0x3  }
0x34: {  	[tilespmem:$0x650] =	vst v2;
	v2 =	vld [tilespmem:$0x1FFC0]  }
0x35: {  	[tilespmem:$0x850] =	vst v3;
	v3 =	vld [tilespmem:$0x1FFD0];
	_ =	sdelay $0x6  }
0x36: {  	v2 =	vld.idx.msk [tilespmem:v2+s4+$0x0], $0xffff  }
0x37: {  	v3 =	vld.idx.msk [tilespmem:v3+s4+$0x0], $0xffff;
	_ =	sdelay $0x3  }
0x38: {  	[tilespmem:$0x660] =	vst v2;
	v2 =	vld [tilespmem:$0x1FFE0]  }
0x39: {  	[tilespmem:$0x860] =	vst v3;
	v3 =	vld [tilespmem:$0x1FFF0];
	_ =	sdelay $0x6  }
0x3a: {  	v2 =	vld.idx.msk [tilespmem:v2+s4+$0x0], $0xffff  }
0x3b: {  	v3 =	vld.idx.msk [tilespmem:v3+s4+$0x0], $0xffff;
	_ =	sdelay $0x3  }
0x3c: {  	[tilespmem:$0x670] =	vst v2  }
0x3d: {  	[tilespmem:$0x870] =	vst v3  }
0x3e: {  	v2 =	vld.idx.msk [tilespmem:v17+s4+$0x0], $0xffff  }
0x3f: {  	v3 =	vld.idx.msk [tilespmem:v18+s4+$0x0], $0xffff;
	_ =	sdelay $0x3  }
0x40: {  	[tilespmem:$0x680] =	vst v2  }
0x41: {  	[tilespmem:$0x880] =	vst v3  }
0x42: {  	v2 =	vld.idx.msk [tilespmem:v19+s4+$0x0], $0xffff  }
0x43: {  	v3 =	vld.idx.msk [tilespmem:v20+s4+$0x0], $0xffff;
	_ =	sdelay $0x3  }
0x44: {  	[tilespmem:$0x690] =	vst v2  }
0x45: {  	[tilespmem:$0x890] =	vst v3  }
0x46: {  	v2 =	vld.idx.msk [tilespmem:v21+s4+$0x0], $0xffff  }
0x47: {  	v3 =	vld.idx.msk [tilespmem:v22+s4+$0x0], $0xffff;
	_ =	sdelay $0x3  }
0x48: {  	[tilespmem:$0x6A0] =	vst v2  }
0x49: {  	[tilespmem:$0x8A0] =	vst v3  }
0x4a: {  	v2 =	vld.idx.msk [tilespmem:v23+s4+$0x0], $0xffff  }
0x4b: {  	v3 =	vld.idx.msk [tilespmem:v24+s4+$0x0], $0xffff;
	_ =	sdelay $0x3  }
0x4c: {  	[tilespmem:$0x6B0] =	vst v2  }
0x4d: {  	[tilespmem:$0x8B0] =	vst v3  }
0x4e: {  	v2 =	vld.idx.msk [tilespmem:v25+s4+$0x0], $0xffff  }
0x4f: {  	v3 =	vld.idx.msk [tilespmem:v26+s4+$0x0], $0xffff;
	_ =	sdelay $0x3  }
0x50: {  	[tilespmem:$0x6C0] =	vst v2  }
0x51: {  	[tilespmem:$0x8C0] =	vst v3  }
0x52: {  	v2 =	vld.idx.msk [tilespmem:v27+s4+$0x0], $0xffff  }
0x53: {  	v3 =	vld.idx.msk [tilespmem:v28+s4+$0x0], $0xffff;
	_ =	sdelay $0x3  }
0x54: {  	[tilespmem:$0x6D0] =	vst v2  }
0x55: {  	[tilespmem:$0x8D0] =	vst v3  }
0x56: {  	v2 =	vld.idx.msk [tilespmem:v29+s4+$0x0], $0xffff  }
0x57: {  	v3 =	vld.idx.msk [tilespmem:v30+s4+$0x0], $0xffff;
	_ =	sdelay $0x3  }
0x58: {  	[tilespmem:$0x6E0] =	vst v2  }
0x59: {  	[tilespmem:$0x8E0] =	vst v3  }
0x5a: {  	v2 =	vld.idx.msk [tilespmem:v31+s4+$0x0], $0xffff  }
0x5b: {  	v3 =	vld.idx.msk [tilespmem:v32+s4+$0x0], $0xffff;
	_ =	sdelay $0x3  }
0x5c: {  	[tilespmem:$0x6F0] =	vst v2  }
0x5d: {  	[tilespmem:$0x8F0] =	vst v3  }
0x5e: {  	v2 =	vld.idx.msk [tilespmem:v33+s4+$0x0], $0xffff  }
0x5f: {  	v3 =	vld.idx.msk [tilespmem:v34+s4+$0x0], $0xffff;
	_ =	sdelay $0x3  }
0x60: {  	[tilespmem:$0x700] =	vst v2  }
0x61: {  	[tilespmem:$0x900] =	vst v3  }
0x62: {  	v2 =	vld.idx.msk [tilespmem:v35+s4+$0x0], $0xffff  }
0x63: {  	v3 =	vld.idx.msk [tilespmem:v36+s4+$0x0], $0xffff;
	_ =	sdelay $0x3  }
0x64: {  	[tilespmem:$0x710] =	vst v2  }
0x65: {  	[tilespmem:$0x910] =	vst v3  }
0x66: {  	v2 =	vld.idx.msk [tilespmem:v37+s4+$0x0], $0xffff  }
0x67: {  	v3 =	vld.idx.msk [tilespmem:v38+s4+$0x0], $0xffff;
	_ =	sdelay $0x3  }
0x68: {  	[tilespmem:$0x720] =	vst v2  }
0x69: {  	[tilespmem:$0x920] =	vst v3  }
0x6a: {  	v2 =	vld.idx.msk [tilespmem:v39+s4+$0x0], $0xffff  }
0x6b: {  	v3 =	vld.idx.msk [tilespmem:v40+s4+$0x0], $0xffff;
	_ =	sdelay $0x3  }
0x6c: {  	[tilespmem:$0x730] =	vst v2  }
0x6d: {  	[tilespmem:$0x930] =	vst v3  }
0x6e: {  	v2 =	vld.idx.msk [tilespmem:v41+s4+$0x0], $0xffff  }
0x6f: {  	v3 =	vld.idx.msk [tilespmem:v42+s4+$0x0], $0xffff;
	_ =	sdelay $0x3  }
0x70: {  	[tilespmem:$0x740] =	vst v2  }
0x71: {  	[tilespmem:$0x940] =	vst v3  }
0x72: {  	v2 =	vld.idx.msk [tilespmem:v43+s4+$0x0], $0xffff  }
0x73: {  	v3 =	vld.idx.msk [tilespmem:v44+s4+$0x0], $0xffff;
	_ =	sdelay $0x3  }
0x74: {  	[tilespmem:$0x750] =	vst v2  }
0x75: {  	[tilespmem:$0x950] =	vst v3  }
0x76: {  	v2 =	vld.idx.msk [tilespmem:v45+s4+$0x0], $0xffff  }
0x77: {  	v3 =	vld.idx.msk [tilespmem:v46+s4+$0x0], $0xffff;
	_ =	sdelay $0x3  }
0x78: {  	[tilespmem:$0x760] =	vst v2  }
0x79: {  	[tilespmem:$0x960] =	vst v3  }
0x7a: {  	v2 =	vld.idx.msk [tilespmem:v47+s4+$0x0], $0xffff  }
0x7b: {  	v3 =	vld.idx.msk [tilespmem:v48+s4+$0x0], $0xffff;
	_ =	sdelay $0x3  }
0x7c: {  	[tilespmem:$0x770] =	vst v2  }
0x7d: {  	[tilespmem:$0x970] =	vst v3  }
0x7e: {  	v2 =	vld.idx.msk [tilespmem:v49+s4+$0x0], $0xffff  }
0x7f: {  	v3 =	vld.idx.msk [tilespmem:v50+s4+$0x0], $0xffff;
	_ =	sdelay $0x3  }
0x80: {  	[tilespmem:$0x780] =	vst v2  }
0x81: {  	[tilespmem:$0x980] =	vst v3  }
0x82: {  	v2 =	vld.idx.msk [tilespmem:v51+s4+$0x0], $0xffff  }
0x83: {  	v3 =	vld.idx.msk [tilespmem:v52+s4+$0x0], $0xffff;
	_ =	sdelay $0x3  }
0x84: {  	[tilespmem:$0x790] =	vst v2  }
0x85: {  	[tilespmem:$0x990] =	vst v3  }
0x86: {  	v2 =	vld.idx.msk [tilespmem:v53+s4+$0x0], $0xffff  }
0x87: {  	v3 =	vld.idx.msk [tilespmem:v54+s4+$0x0], $0xffff;
	_ =	sdelay $0x3  }
0x88: {  	[tilespmem:$0x7A0] =	vst v2  }
0x89: {  	[tilespmem:$0x9A0] =	vst v3  }
0x8a: {  	v2 =	vld.idx.msk [tilespmem:v55+s4+$0x0], $0xffff  }
0x8b: {  	v3 =	vld.idx.msk [tilespmem:v56+s4+$0x0], $0xffff;
	_ =	sdelay $0x3  }
0x8c: {  	[tilespmem:$0x7B0] =	vst v2  }
0x8d: {  	[tilespmem:$0x9B0] =	vst v3  }
0x8e: {  	v2 =	vld.idx.msk [tilespmem:v57+s4+$0x0], $0xffff  }
0x8f: {  	v3 =	vld.idx.msk [tilespmem:v58+s4+$0x0], $0xffff;
	_ =	sdelay $0x3  }
0x90: {  	[tilespmem:$0x7C0] =	vst v2  }
0x91: {  	[tilespmem:$0x9C0] =	vst v3  }
0x92: {  	v2 =	vld.idx.msk [tilespmem:v59+s4+$0x0], $0xffff  }
0x93: {  	v3 =	vld.idx.msk [tilespmem:v60+s4+$0x0], $0xffff;
	_ =	sdelay $0x3  }
0x94: {  	[tilespmem:$0x7D0] =	vst v2  }
0x95: {  	[tilespmem:$0x9D0] =	vst v3  }
0x96: {  	v2 =	vld.idx.msk [tilespmem:v61+s4+$0x0], $0xffff  }
0x97: {  	v3 =	vld.idx.msk [tilespmem:v62+s4+$0x0], $0xffff;
	_ =	sdelay $0x3  }
0x98: {  	[tilespmem:$0x7E0] =	vst v2  }
0x99: {  	[tilespmem:$0x9E0] =	vst v3  }
0x9a: {  	v2 =	vld.idx.msk [tilespmem:v63+s4+$0x0], $0xffff  }
0x9b: {  	v3 =	vld.idx.msk [tilespmem:v0+s4+$0x0], $0xffff;
	_ =	sdelay $0x3  }
0x9c: {  	[tilespmem:$0x7F0] =	vst v2  }
0x9d: {  	s3 =	simm.s32 $0xA00;
	[tilespmem:$0x9F0] =	vst v3  }
0x9e: {  	[tilespmem:s3], [sflag:$0x1] =	stream.indirect.gather [hbm4b:s5+s11], $0x40, s12, s11, $0xb8;
	[tilespmem:$0x13000] =	vst v63  }
0x9f: {  	s23 =	simm.s32 $0x8A00  }
0xa0: {  	[tilespmem:s23], [sflag:$0x1] =	stream.indirect.gather [hbm4b:s6+s11], $0x40, s14, s11, $0xb8;
	[tilespmem:$0x13000] =	vst v63  }
0xa1: {  	s25 =	simm.s32 $0x10A00  }
0xa2: {  	[tilespmem:s25], [sflag:$0x1] =	stream.indirect.gather [hbm4b:s0+s11], $0x1, s12, s11, $0xb8;
	[tilespmem:$0x13000] =	vst v63  }
0xa3: {  	s30 =	simm.s32 $0x10C00  }
0xa4: {  	[tilespmem:s30], [sflag:$0x1] =	stream.indirect.gather [hbm4b:s1+s11], $0x1, s14, s11, $0xb8;
	[tilespmem:$0x13000] =	vst v63  }
0xa5: {  	s23 =	simm.s32 $0x2A00  }
0xa6: {  	[tilespmem:s23], [sflag:$0x1] =	stream.indirect.gather [hbm4b:s5+s11], $0x40, s18, s11, $0xb8;
	[tilespmem:$0x13000] =	vst v63  }
0xa7: {  	s25 =	simm.s32 $0xAA00  }
0xa8: {  	[tilespmem:s25], [sflag:$0x1] =	stream.indirect.gather [hbm4b:s6+s11], $0x40, s20, s11, $0xb8;
	[tilespmem:$0x13000] =	vst v63  }
0xa9: {  	s30 =	simm.s32 $0x10A80  }
0xaa: {  	[tilespmem:s30], [sflag:$0x1] =	stream.indirect.gather [hbm4b:s0+s11], $0x1, s18, s11, $0xb8;
	[tilespmem:$0x13000] =	vst v63  }
0xab: {  	s23 =	simm.s32 $0x10C80  }
0xac: {  	[tilespmem:s23], [sflag:$0x1] =	stream.indirect.gather [hbm4b:s1+s11], $0x1, s20, s11, $0xb8;
	[tilespmem:$0x13000] =	vst v63  }
0xad: {  	s25 =	simm.s32 $0x4A00  }
0xae: {  	[tilespmem:s25], [sflag:$0x1] =	stream.indirect.gather [hbm4b:s5+s11], $0x40, s24, s11, $0xb8;
	[tilespmem:$0x13000] =	vst v63  }
0xaf: {  	s30 =	simm.s32 $0xCA00  }
0xb0: {  	[tilespmem:s30], [sflag:$0x1] =	stream.indirect.gather [hbm4b:s6+s11], $0x40, s26, s11, $0xb8;
	[tilespmem:$0x13000] =	vst v63  }
0xb1: {  	s23 =	simm.s32 $0x10B00  }
0xb2: {  	[tilespmem:s23], [sflag:$0x1] =	stream.indirect.gather [hbm4b:s0+s11], $0x1, s24, s11, $0xb8;
	[tilespmem:$0x13000] =	vst v63  }
0xb3: {  	s25 =	simm.s32 $0x10D00  }
0xb4: {  	[tilespmem:s25], [sflag:$0x1] =	stream.indirect.gather [hbm4b:s1+s11], $0x1, s26, s11, $0xb8;
	[tilespmem:$0x13000] =	vst v63  }
0xb5: {  	s30 =	simm.s32 $0x6A00  }
0xb6: {  	[tilespmem:s30], [sflag:$0x1] =	stream.indirect.gather [hbm4b:s5+s11], $0x40, s31, s11, $0xb8;
	[tilespmem:$0x13000] =	vst v63  }
0xb7: {  	_ = 	snop  }
0xb8: {  	[tilespmem:s13], [sflag:$0x1] =	stream.indirect.gather [hbm4b:s6+s11], $0x40, s2, s11, $0xb8;
	[tilespmem:$0x13000] =	vst v63  }
0xb9: {  	_ = 	snop  }
0xba: {  	[tilespmem:s15], [sflag:$0x1] =	stream.indirect.gather [hbm4b:s0+s11], $0x1, s31, s11, $0xb8;
	[tilespmem:$0x13000] =	vst v63  }
0xbb: {  	_ = 	snop  }
0xbc: {  	[tilespmem:s16], [sflag:$0x1] =	stream.indirect.gather [hbm4b:s1+s11], $0x1, s2, s11, $0xb8;
	[tilespmem:$0x13000] =	vst v63  }
0xbd: {  	_ =	swait.ge [sflag:s17], $0x2000  }
0xbe: {  	[sflag:s17] =	ssyncset.done $0x0  }
0xbf: {  	[sflag:s17] =	ssyncadd.s32 $0xFFFFE000  }
0xc0: {  	_ =	swait.ge [sflag:s17], $0x2000  }
0xc1: {  	[sflag:s17] =	ssyncset.done $0x0  }
0xc2: {  	[sflag:s17] =	ssyncadd.s32 $0xFFFFE000  }
0xc3: {  	_ =	swait.ge [sflag:s17], $0x80  }
0xc4: {  	[sflag:s17] =	ssyncset.done $0x0  }
0xc5: {  	[sflag:s17] =	ssyncadd.s32 $0xFFFFFF80  }
0xc6: {  	_ =	swait.ge [sflag:s17], $0x80  }
0xc7: {  	[sflag:s17] =	ssyncset.done $0x0  }
0xc8: {  	[sflag:s17] =	ssyncadd.s32 $0xFFFFFF80  }
0xc9: {  	_ =	swait.ge [sflag:s17], $0x2000  }
0xca: {  	[sflag:s17] =	ssyncset.done $0x0  }
0xcb: {  	[sflag:s17] =	ssyncadd.s32 $0xFFFFE000  }
0xcc: {  	_ =	swait.ge [sflag:s17], $0x2000  }
0xcd: {  	[sflag:s17] =	ssyncset.done $0x0  }
0xce: {  	[sflag:s17] =	ssyncadd.s32 $0xFFFFE000  }
0xcf: {  	_ =	swait.ge [sflag:s17], $0x80  }
0xd0: {  	[sflag:s17] =	ssyncset.done $0x0  }
0xd1: {  	[sflag:s17] =	ssyncadd.s32 $0xFFFFFF80  }
0xd2: {  	_ =	swait.ge [sflag:s17], $0x80  }
0xd3: {  	[sflag:s17] =	ssyncset.done $0x0  }
0xd4: {  	[sflag:s17] =	ssyncadd.s32 $0xFFFFFF80  }
0xd5: {  	_ =	swait.ge [sflag:s17], $0x2000  }
0xd6: {  	[sflag:s17] =	ssyncset.done $0x0  }
0xd7: {  	[sflag:s17] =	ssyncadd.s32 $0xFFFFE000  }
0xd8: {  	_ =	swait.ge [sflag:s17], $0x2000  }
0xd9: {  	[sflag:s17] =	ssyncset.done $0x0  }
0xda: {  	[sflag:s17] =	ssyncadd.s32 $0xFFFFE000  }
0xdb: {  	_ =	swait.ge [sflag:s17], $0x80  }
0xdc: {  	[sflag:s17] =	ssyncset.done $0x0  }
0xdd: {  	[sflag:s17] =	ssyncadd.s32 $0xFFFFFF80  }
0xde: {  	_ =	swait.ge [sflag:s17], $0x80  }
0xdf: {  	[sflag:s17] =	ssyncset.done $0x0  }
0xe0: {  	[sflag:s17] =	ssyncadd.s32 $0xFFFFFF80  }
0xe1: {  	_ =	swait.ge [sflag:s17], $0x2000  }
0xe2: {  	[sflag:s17] =	ssyncset.done $0x0  }
0xe3: {  	[sflag:s17] =	ssyncadd.s32 $0xFFFFE000  }
0xe4: {  	_ =	swait.ge [sflag:s17], $0x2000  }
0xe5: {  	[sflag:s17] =	ssyncset.done $0x0  }
0xe6: {  	[sflag:s17] =	ssyncadd.s32 $0xFFFFE000  }
0xe7: {  	_ =	swait.ge [sflag:s17], $0x80  }
0xe8: {  	[sflag:s17] =	ssyncset.done $0x0  }
0xe9: {  	[sflag:s17] =	ssyncadd.s32 $0xFFFFFF80  }
0xea: {  	_ =	swait.ge [sflag:s17], $0x80  }
0xeb: {  	[sflag:s17] =	ssyncset.done $0x0  }
0xec: {  	s25 =	simm.s32 $0xA80;
	[sflag:s17] =	ssyncadd.s32 $0xFFFFFF80  }
0xed: {  	s23 =	simm.s32 $0x8A80;
	v2 =	vld [tilespmem:s25+$0xFFFFFF80]  }
0xee: {  	v3 =	vld [tilespmem:s23+$0xFFFFFF80]  }
0xef: {  	v4 =	vld [tilespmem:s25+$0xFFFFFF90]  }
0xf0: {  	v5 =	vld [tilespmem:s23+$0xFFFFFF90]  }
0xf1: {  	v6 =	vld [tilespmem:s23+$0xFFFFFFA0]  }
0xf2: {  	v7 =	vld [tilespmem:s25+$0xFFFFFFA0]  }
0xf3: {  	v8 =	vld [tilespmem:s23+$0xFFFFFFB0]  }
0xf4: {  	v9 =	vld [tilespmem:s25+$0xFFFFFFB0]  }
0xf5: {  	v3 =	vmul.f32 v3, v2;
	v4 =	vmul.f32 v5, v4;
	v2 =	vlaneseq.u32  }
0xf6: {  	v2 =	vmul.u32 $0x200, v2  }
0xf7: {  	v3 =	vadd.f32 v4, v3;
	v4 =	vmul.f32 v6, v7  }
0xf8: {  	v5 =	vor.u32 s4, v2  }
0xf9: {  	v3 =	vadd.f32 v4, v3;
	v4 =	vmul.f32 v8, v9;
	_ =	sdelay $0x1  }
0xfa: {  	v3 =	vadd.f32 v4, v3;
	_ =	sdelay $0x1  }
0xfb: {  	[tilespmem:v5+s19+$0x0] =	vst.idx.msk $0xffff, v3  }
0xfc: {  	v3 =	vld [tilespmem:s25+$0xFFFFFFC0]  }
0xfd: {  	v4 =	vld [tilespmem:s23+$0xFFFFFFC0]  }
0xfe: {  	v5 =	vld [tilespmem:s23+$0xFFFFFFD0]  }
0xff: {  	v6 =	vld [tilespmem:s25+$0xFFFFFFD0]  }
0x100: {  	v7 =	vld [tilespmem:s23+$0xFFFFFFE0]  }
0x101: {  	v8 =	vld [tilespmem:s25+$0xFFFFFFE0]  }
0x102: {  	v9 =	vld [tilespmem:s23+$0xFFFFFFF0]  }
0x103: {  	v10 =	vld [tilespmem:s25+$0xFFFFFFF0]  }
0x104: {  	v3 =	vmul.f32 v4, v3;
	v4 =	vmul.f32 v5, v6;
	_ =	sdelay $0x1  }
0x105: {  	s28 =	simm.s32 $0x1;
	v3 =	vadd.f32 v4, v3;
	v4 =	vmul.f32 v7, v8  }
0x106: {  	v5 =	vor.u32 s28, v2  }
0x107: {  	v3 =	vadd.f32 v4, v3;
	v4 =	vmul.f32 v9, v10;
	_ =	sdelay $0x1  }
0x108: {  	v3 =	vadd.f32 v4, v3;
	_ =	sdelay $0x1  }
0x109: {  	[tilespmem:v5+s19+$0x0] =	vst.idx.msk $0xffff, v3  }
0x10a: {  	v3 =	vld [tilespmem:s25+$0x0]  }
0x10b: {  	v4 =	vld [tilespmem:s23+$0x0]  }
0x10c: {  	v5 =	vld [tilespmem:s23+$0x10]  }
0x10d: {  	v6 =	vld [tilespmem:s25+$0x10]  }
0x10e: {  	v7 =	vld [tilespmem:s23+$0x20]  }
0x10f: {  	v8 =	vld [tilespmem:s25+$0x20]  }
0x110: {  	v9 =	vld [tilespmem:s23+$0x30]  }
0x111: {  	v10 =	vld [tilespmem:s25+$0x30]  }
0x112: {  	v3 =	vmul.f32 v4, v3;
	v4 =	vmul.f32 v5, v6;
	_ =	sdelay $0x1  }
0x113: {  	s28 =	simm.s32 $0x2;
	v3 =	vadd.f32 v4, v3;
	v4 =	vmul.f32 v7, v8  }
0x114: {  	v5 =	vor.u32 s28, v2  }
0x115: {  	v3 =	vadd.f32 v4, v3;
	v4 =	vmul.f32 v9, v10;
	_ =	sdelay $0x1  }
0x116: {  	v3 =	vadd.f32 v4, v3;
	_ =	sdelay $0x1  }
0x117: {  	[tilespmem:v5+s19+$0x0] =	vst.idx.msk $0xffff, v3  }
0x118: {  	v4 =	vld [tilespmem:s25+$0x40]  }
0x119: {  	v8 =	vld [tilespmem:s23+$0x40]  }
0x11a: {  	v6 =	vld [tilespmem:s25+$0x50]  }
0x11b: {  	v7 =	vld [tilespmem:s23+$0x50]  }
0x11c: {  	v3 =	vld [tilespmem:s25+$0x60]  }
0x11d: {  	v5 =	vld [tilespmem:s23+$0x60]  }
0x11e: {  	s29 =	simm.s32 $0x0;
	s28 =	simm.s32 $0x4;
	v8 =	vmul.f32 v8, v4;
	v4 =	vld [tilespmem:s25+$0x70]  }
.LBB2_2:
0x11f: {  	p0 =	sne.s32 s28, $0x1FC;
	v9 =	vld [tilespmem:s23+$0x70];
	s25 =	sadd.s32 $0x100, s25;
	s23 =	sadd.s32 $0x100, s23  }
0x120: {  	s30 =	smov.u32 s28;
	s28 =	sadd.s32 $0x4, s28;
	v6 =	vmul.f32 v7, v6;
	_ =	sdelay $0x1  }
0x121: {  	s3 =	sadd.s32 $0x3, s29;
	s29 =	smov.u32 s30;
	v6 =	vadd.f32 v6, v8;
	v3 =	vmul.f32 v5, v3  }
0x122: {  	v5 =	vor.u32 s3, v2  }
0x123: {  	v3 =	vadd.f32 v3, v6;
	v4 =	vmul.f32 v9, v4;
	_ =	sdelay $0x1  }
0x124: {  	v3 =	vadd.f32 v4, v3;
	_ =	sdelay $0x1  }
0x125: {  	[tilespmem:v5+s19+$0x0] =	vst.idx.msk $0xffff, v3  }
0x126: {  	v3 =	vld [tilespmem:s25+$0xFFFFFF80]  }
0x127: {  	v4 =	vld [tilespmem:s23+$0xFFFFFF80]  }
0x128: {  	v5 =	vld [tilespmem:s25+$0xFFFFFF90]  }
0x129: {  	v6 =	vld [tilespmem:s23+$0xFFFFFF90]  }
0x12a: {  	v7 =	vld [tilespmem:s23+$0xFFFFFFA0]  }
0x12b: {  	v8 =	vld [tilespmem:s25+$0xFFFFFFA0]  }
0x12c: {  	v9 =	vld [tilespmem:s23+$0xFFFFFFB0]  }
0x12d: {  	v10 =	vld [tilespmem:s25+$0xFFFFFFB0]  }
0x12e: {  	v3 =	vmul.f32 v4, v3;
	v4 =	vmul.f32 v6, v5;
	_ =	sdelay $0x1  }
0x12f: {  	v3 =	vadd.f32 v4, v3;
	v4 =	vmul.f32 v7, v8  }
0x130: {  	v5 =	vor.u32 s29, v2  }
0x131: {  	v3 =	vadd.f32 v4, v3;
	v4 =	vmul.f32 v9, v10;
	_ =	sdelay $0x1  }
0x132: {  	v3 =	vadd.f32 v4, v3;
	_ =	sdelay $0x1  }
0x133: {  	[tilespmem:v5+s19+$0x0] =	vst.idx.msk $0xffff, v3  }
0x134: {  	v3 =	vld [tilespmem:s25+$0xFFFFFFC0]  }
0x135: {  	v4 =	vld [tilespmem:s23+$0xFFFFFFC0]  }
0x136: {  	v5 =	vld [tilespmem:s23+$0xFFFFFFD0]  }
0x137: {  	v6 =	vld [tilespmem:s25+$0xFFFFFFD0]  }
0x138: {  	v7 =	vld [tilespmem:s23+$0xFFFFFFE0]  }
0x139: {  	v8 =	vld [tilespmem:s25+$0xFFFFFFE0]  }
0x13a: {  	v3 =	vmul.f32 v4, v3;
	v4 =	vld [tilespmem:s23+$0xFFFFFFF0]  }
0x13b: {  	v9 =	vld [tilespmem:s25+$0xFFFFFFF0]  }
0x13c: {  	v5 =	vmul.f32 v5, v6;
	_ =	sdelay $0x1  }
0x13d: {  	s3 =	sadd.s32 $0x1, s29;
	v3 =	vadd.f32 v5, v3;
	v5 =	vmul.f32 v7, v8  }
0x13e: {  	v6 =	vor.u32 s3, v2  }
0x13f: {  	v3 =	vadd.f32 v5, v3;
	v4 =	vmul.f32 v4, v9;
	_ =	sdelay $0x1  }
0x140: {  	v3 =	vadd.f32 v4, v3;
	_ =	sdelay $0x1  }
0x141: {  	[tilespmem:v6+s19+$0x0] =	vst.idx.msk $0xffff, v3  }
0x142: {  	v3 =	vld [tilespmem:s25+$0x0]  }
0x143: {  	v4 =	vld [tilespmem:s23+$0x0]  }
0x144: {  	v5 =	vld [tilespmem:s23+$0x10]  }
0x145: {  	v6 =	vld [tilespmem:s25+$0x10]  }
0x146: {  	v7 =	vld [tilespmem:s23+$0x20]  }
0x147: {  	v8 =	vld [tilespmem:s25+$0x20]  }
0x148: {  	v3 =	vmul.f32 v4, v3;
	v4 =	vld [tilespmem:s23+$0x30]  }
0x149: {  	v9 =	vld [tilespmem:s25+$0x30]  }
0x14a: {  	v5 =	vmul.f32 v5, v6;
	_ =	sdelay $0x1  }
0x14b: {  	s3 =	sadd.s32 $0x2, s29;
	v3 =	vadd.f32 v5, v3;
	v5 =	vmul.f32 v7, v8  }
0x14c: {  	v6 =	vor.u32 s3, v2  }
0x14d: {  	v3 =	vadd.f32 v5, v3;
	v4 =	vmul.f32 v4, v9;
	_ =	sdelay $0x1  }
0x14e: {  	v3 =	vadd.f32 v4, v3;
	_ =	sdelay $0x1  }
0x14f: {  	[tilespmem:v6+s19+$0x0] =	vst.idx.msk $0xffff, v3  }
0x150: {  	v4 =	vld [tilespmem:s25+$0x40]  }
0x151: {  	v8 =	vld [tilespmem:s23+$0x40]  }
.Ltmp0:
0x152: {  	v6 =	vld [tilespmem:s25+$0x50];
	(pc) =	sbr.rel @p0 .LBB2_2-.Ltmp0, $4  }
0x153: {  	v7 =	vld [tilespmem:s23+$0x50]  }
0x154: {  	v3 =	vld [tilespmem:s25+$0x60]  }
0x155: {  	v5 =	vld [tilespmem:s23+$0x60]  }
0x156: {  	v8 =	vmul.f32 v8, v4;
	v4 =	vld [tilespmem:s25+$0x70]  }
0x157: {  	v9 =	vld [tilespmem:s23+$0x70]  }
0x158: {  	v6 =	vmul.f32 v7, v6;
	_ =	sdelay $0x1  }
0x159: {  	s3 =	sadd.s32 $0x3, s29;
	v6 =	vadd.f32 v6, v8;
	v3 =	vmul.f32 v5, v3  }
0x15a: {  	v2 =	vor.u32 s3, v2  }
0x15b: {  	v3 =	vadd.f32 v3, v6;
	v4 =	vmul.f32 v9, v4;
	_ =	sdelay $0x1  }
0x15c: {  	v3 =	vadd.f32 v4, v3;
	_ =	sdelay $0x1  }
0x15d: {  	s23 =	simm.s32 $0x0;
	[tilespmem:v2+s19+$0x0] =	vst.idx.msk $0xffff, v3  }
0x15e: {  	v7 =	vld [tilespmem:s23+$0x12600]  }
0x15f: {  	v6 =	vld [tilespmem:s23+$0x12800]  }
0x160: {  	v5 =	vld [tilespmem:s23+$0x11E00]  }
0x161: {  	v3 =	vld [tilespmem:s23+$0x12000]  }
0x162: {  	v4 =	vld [tilespmem:s23+$0x11600]  }
0x163: {  	v2 =	vld [tilespmem:s23+$0x11800]  }
0x164: {  	v8 =	vld [tilespmem:s23+$0x10A00]  }
0x165: {  	v9 =	vld [tilespmem:s23+$0x10C00]  }
0x166: {  	v10 =	vld [tilespmem:s23+$0x10E00]  }
0x167: {  	v11 =	vld [tilespmem:s23+$0x11000]  }
0x168: {  	v12 =	vld [tilespmem:s23+$0x11200]  }
0x169: {  	v13 =	vld [tilespmem:s23+$0x11400]  }
0x16a: {  	v8 =	vadd.f32 v9, v8;
	v9 =	vld [tilespmem:s23+$0x11A00]  }
0x16b: {  	v14 =	vld [tilespmem:s23+$0x11C00]  }
0x16c: {  	v15 =	vld [tilespmem:s23+$0x12200];
	v8 =	vadd.f32 $3.200000050e+00, v8  }
0x16d: {  	v16 =	vld [tilespmem:s23+$0x12400];
	v11 =	vadd.f32 $0.0e+00, v11;
	v12 =	vadd.f32 $0.0e+00, v12  }
0x16e: {  	v8 =	vadd.f32 v8, v10;
	v10 =	vadd.f32 $0.0e+00, v13;
	v13 =	vld [tilespmem:s23+$0x12A00]  }
0x16f: {  	s25 =	simm.s32 $0x10;
	v11 =	vadd.f32 v2, v11;
	v9 =	vadd.f32 v9, v12;
	v12 =	vld [tilespmem:s23+$0x12C00]  }
0x170: {  	v2 =	vld [tilespmem:s25+$0x12600];
	v8 =	vadd.f32 v4, v8;
	v10 =	vadd.f32 v14, v10  }
0x171: {  	v11 =	vadd.f32 v3, v11;
	v3 =	vld [tilespmem:s25+$0x11E00];
	v9 =	vadd.f32 v15, v9  }
0x172: {  	v4 =	vld [tilespmem:s25+$0x12800];
	v8 =	vadd.f32 v5, v8;
	v10 =	vadd.f32 v16, v10  }
0x173: {  	v11 =	vadd.f32 v6, v11;
	v6 =	vld [tilespmem:s25+$0x11600];
	v13 =	vadd.f32 v13, v9  }
0x174: {  	v5 =	vld [tilespmem:s25+$0x12000];
	v9 =	vadd.f32 v7, v8;
	v10 =	vadd.f32 v12, v10  }
0x175: {  	v7 =	vld [tilespmem:s25+$0x11800]  }
0x176: {  	s28 =	simm.s32 $0x80;
	v8 =	vld [tilespmem:s25+$0x10A00];
	v9 =	vadd.f32 v11, v9;
	v10 =	vadd.f32 v10, v13  }
.LBB2_4:
0x177: {  	p0 =	sne.s32 s28, $0x7C0;
	v11 =	vld [tilespmem:s25+$0x10C00]  }
0x178: {  	v12 =	vld [tilespmem:s25+$0x10E00];
	v9 =	vadd.f32 v10, v9  }
0x179: {  	v10 =	vld [tilespmem:s25+$0x11000]  }
0x17a: {  	v13 =	vld [tilespmem:s25+$0x11200];
	[tilespmem:s23+$0x12E00] =	vst v9;
	s23 =	smov.u32 s25  }
0x17b: {  	v9 =	vld [tilespmem:s23+$0x11400]  }
0x17c: {  	v8 =	vadd.f32 v11, v8;
	v11 =	vld [tilespmem:s23+$0x11A00]  }
0x17d: {  	v14 =	vld [tilespmem:s23+$0x11C00]  }
0x17e: {  	v8 =	vadd.f32 $3.200000050e+00, v8;
	v15 =	vld [tilespmem:s23+$0x12200]  }
0x17f: {  	v10 =	vadd.f32 $0.0e+00, v10;
	v13 =	vadd.f32 $0.0e+00, v13;
	v16 =	vld [tilespmem:s23+$0x12400]  }
0x180: {  	v8 =	vadd.f32 v8, v12;
	v9 =	vadd.f32 $0.0e+00, v9;
	v12 =	vld [tilespmem:s23+$0x12A00]  }
0x181: {  	s25 =	sshra.s32 s28, $0x2;
	v7 =	vadd.f32 v7, v10;
	v10 =	vadd.f32 v11, v13;
	v11 =	vld [tilespmem:s23+$0x12C00]  }
0x182: {  	v13 =	vld [tilespmem:s25+$0x12600];
	v6 =	vadd.f32 v6, v8;
	v8 =	vadd.f32 v14, v9  }
0x183: {  	v7 =	vadd.f32 v5, v7;
	v14 =	vld [tilespmem:s25+$0x12800];
	v9 =	vadd.f32 v15, v10  }
.Ltmp1:
0x184: {  	v10 =	vadd.f32 v3, v6;
	v3 =	vld [tilespmem:s25+$0x11E00];
	v8 =	vadd.f32 v16, v8;
	(pc) =	sbr.rel @p0 .LBB2_4-.Ltmp1, $4  }
0x185: {  	v15 =	vadd.f32 v4, v7;
	v5 =	vld [tilespmem:s25+$0x12000];
	v12 =	vadd.f32 v12, v9  }
0x186: {  	v6 =	vld [tilespmem:s25+$0x11600];
	v9 =	vadd.f32 v2, v10;
	v10 =	vadd.f32 v11, v8  }
0x187: {  	v7 =	vld [tilespmem:s25+$0x11800];
	v2 =	vmov v13  }
0x188: {  	s28 =	sadd.s32 $0x40, s28;
	v8 =	vld [tilespmem:s25+$0x10A00];
	v9 =	vadd.f32 v15, v9;
	v10 =	vadd.f32 v10, v12;
	v4 =	vmov v14  }
0x189: {  	v11 =	vld [tilespmem:s25+$0x10C00]  }
0x18a: {  	v12 =	vld [tilespmem:s25+$0x10E00];
	v9 =	vadd.f32 v10, v9  }
0x18b: {  	v13 =	vld [tilespmem:s25+$0x11200]  }
0x18c: {  	v10 =	vld [tilespmem:s25+$0x11000];
	[tilespmem:s23+$0x12E00] =	vst v9  }
0x18d: {  	v9 =	vld [tilespmem:s25+$0x11400]  }
0x18e: {  	v8 =	vadd.f32 v11, v8;
	v11 =	vld [tilespmem:s25+$0x11A00]  }
0x18f: {  	v14 =	vld [tilespmem:s25+$0x11C00]  }
0x190: {  	v15 =	vld [tilespmem:s25+$0x12200];
	v8 =	vadd.f32 $3.200000050e+00, v8  }
0x191: {  	v16 =	vld [tilespmem:s25+$0x12400];
	v13 =	vadd.f32 $0.0e+00, v13;
	v10 =	vadd.f32 $0.0e+00, v10  }
0x192: {  	v8 =	vadd.f32 v8, v12;
	v9 =	vadd.f32 $0.0e+00, v9;
	v12 =	vld [tilespmem:s25+$0x12A00]  }
0x193: {  	v7 =	vadd.f32 v7, v10;
	v13 =	vadd.f32 v11, v13;
	v11 =	vld [tilespmem:s25+$0x12C00]  }
0x194: {  	v6 =	vadd.f32 v6, v8;
	v14 =	vadd.f32 v14, v9  }
0x195: {  	v5 =	vadd.f32 v5, v7;
	v10 =	vadd.f32 v15, v13  }
0x196: {  	v3 =	vadd.f32 v3, v6;
	v13 =	vadd.f32 v16, v14  }
0x197: {  	v4 =	vadd.f32 v4, v5;
	v14 =	vadd.f32 v12, v10  }
0x198: {  	v2 =	vadd.f32 v2, v3;
	v3 =	vadd.f32 v11, v13;
	_ =	sdelay $0x1  }
0x199: {  	v2 =	vadd.f32 v4, v2;
	v3 =	vadd.f32 v3, v14;
	_ =	sdelay $0x1  }
0x19a: {  	s22 =	sadd.s32 $0x1, s22;
	v2 =	vadd.f32 v3, v2  }
0x19b: {  	p0 =	sne.s32 s22, s9  }
.Ltmp2:
0x19c: {  	[tilespmem:s25+$0x12E00] =	vst v2;
	(pc) =	sbr.rel @p0 .LBB2_1-.Ltmp2, $4  }
0x19d: {  	[hbm4b:s8+s4] =	stream.linear.scatter [tilespmem:s21], [sflag:$0x2], $0x200, $0x38;
	[tilespmem:$0x13000] =	vst v63  }
0x19e: {  	_ =	swait.ge [sflag:s10], $0x200  }
0x19f: {  	[sflag:s10] =	ssyncset.done $0x0  }
0x1a0: {  	[sflag:s10] =	ssyncadd.s32 $0xFFFFFE00  }
0x1a1: {  	_ =	sfence.sel $0x180000  }
0x1a2: {  	[bflag:$0x0] =	sbarrier.arrive $0xFFFF  }
0x1a3: {  	_ =	strace $0x90000047  }
0x1a4: {  	s0 =	stileid.u32;
	[bflag:$0x2] =	sbarrier.arrive $0xFFFF  }
0x1a5: {  	p0 =	sne.s32 s0, $0x0;
	s0 =	rddreg [dreg:$0x4]  }
0x1a6: {  	s0 =	sadd.s32 @!p0 $0x100000, s0  }
0x1a7: {  	[sflag:s0] =	ssyncadd.tile.s32 @!p0 $0x1;
	_ =	shalt  }
.Lfunc_end2:
_tile_overlayer_lowered:
.L_overlay_start_2:
0x1a8: {  	(tag) =	ssettag $0x2  }
0x1a9: {  	s0 =	rddreg [dreg:$0x0];
	s2 =	stileid.u32  }
0x1aa: {  	s1 =	rddreg [dreg:$0x1];
	p0 =	sne.s32 s2, $0x0  }
0x1ab: {  	s3 =	rddreg [dreg:$0x2];
	[bflag:$0x3] =	sbarrier.arrive $0xFFFF;
	s2 =	simm.s32 @!p0 $0x1C02  }
0x1ac: {  	[timem:s3], [sflag:s2] =	dma.local @!p0 [hbm:s0], s1  }
0x1ad: {  	s0 =	simm.s32 @!p0 $0x2  }
0x1ae: {  	_ =	swait.ge @!p0 [sflag:s0], s1  }
0x1af: {  	s1 =	ssub.s32 @!p0 $0x0, s1;
	[sflag:s0] =	ssyncset.done @!p0 $0x0  }
0x1b0: {  	[sflag:s0] =	ssyncadd.s32 @!p0 s1  }
0x1b1: {  	[bflag:$0x3] =	sbarrier.arrive $0xFFFF  }
0x1b2: {  	_ =	shalt  }

</sc_bundles>
